<compile_context>
chip_gen: v7x
topology: tpu7x:2x2x1
jax: 0.10.2.dev20260603
libtpu: 0.0.44.dev20260713+nightly
codegen_flags: <defaults>
</compile_context>

<pallas_src>
import jax
import jax.numpy as jnp
from jax import lax
from jax.experimental import pallas as pl
from jax.experimental.pallas import tpu as pltpu
from jax.experimental.pallas import tpu_sc as plsc

_R = 1024
_SPEC = 4
_T = 1 + _SPEC
_MAXB = 256
_BS = 128
_NW = 16
_RPW = _R // _NW
_OPW = _RPW * _T
_LANES = 16
_N = _R * _T

_MCOLS = _T + _SPEC + 2


def _body(misc_hbm, bt_hbm, out_hbm,
          misc_v, bt_v,
          tok_v, posb_v, lenb_v, slotb_v, in_sem, out_sem):
    c = lax.axis_index("c")
    s = lax.axis_index("s")
    w = s + c
    rb = w * _RPW
    ob = w * _OPW

    misc_cp = pltpu.async_copy(misc_hbm.at[pl.ds(rb, _RPW), :], misc_v, in_sem)
    bt_cp = pltpu.async_copy(bt_hbm.at[pl.ds(rb, _RPW), :], bt_v, in_sem)
    misc_cp.wait()

    bases = []
    for r in range(_RPW // _LANES):
        lrow = lax.iota(jnp.int32, _LANES) + r * _LANES
        zero = lrow * 0
        pos16 = plsc.load_gather(misc_v, [lrow, zero + (_T + _SPEC)])
        acc16 = plsc.load_gather(misc_v, [lrow, zero + (_T + _SPEC + 1)])
        base = pos16 + acc16
        bases.append(base)
        last = plsc.load_gather(misc_v, [lrow, acc16 - 1])
        for j in range(_T):
            oidx = lrow * _T + j
            p = base + j
            if j == 0:
                tok = last
            else:
                tok = plsc.load_gather(misc_v, [lrow, zero + (_T + j - 1)])
            plsc.store_scatter(tok_v, [oidx], tok)
            plsc.store_scatter(posb_v, [oidx], p)
            plsc.store_scatter(lenb_v, [oidx], p + 1)

    ocps = [
        pltpu.async_copy(tok_v, out_hbm.at[pl.ds(0 * _N + ob, _OPW)], out_sem),
        pltpu.async_copy(posb_v, out_hbm.at[pl.ds(1 * _N + ob, _OPW)], out_sem),
        pltpu.async_copy(lenb_v, out_hbm.at[pl.ds(2 * _N + ob, _OPW)], out_sem),
    ]
    bt_cp.wait()

    for r in range(_RPW // _LANES):
        lrow = lax.iota(jnp.int32, _LANES) + r * _LANES
        base = bases[r]
        for j in range(_T):
            p = base + j
            blk = plsc.load_gather(bt_v, [lrow, p // _BS])
            plsc.store_scatter(slotb_v, [lrow * _T + j], blk * _BS + p % _BS)

    ocps.append(
        pltpu.async_copy(slotb_v, out_hbm.at[pl.ds(3 * _N + ob, _OPW)], out_sem))
    for cp in ocps:
        cp.wait()


@jax.jit
def _advance(misc32, bt):
    scratch = (
        pltpu.VMEM((_RPW, _MCOLS), jnp.int32),
        pltpu.VMEM((_RPW, _MAXB), jnp.int32),
        pltpu.VMEM((_OPW,), jnp.int32),
        pltpu.VMEM((_OPW,), jnp.int32),
        pltpu.VMEM((_OPW,), jnp.int32),
        pltpu.VMEM((_OPW,), jnp.int32),
        pltpu.SemaphoreType.DMA,
        pltpu.SemaphoreType.DMA,
    )
    fn = pl.kernel(
        _body,
        out_type=jax.ShapeDtypeStruct((4 * _N,), jnp.int32),
        mesh=plsc.VectorSubcoreMesh(core_axis_name="c", subcore_axis_name="s", num_cores=1),
        scratch_types=scratch,
        compiler_params=pltpu.CompilerParams(needs_layout_passes=False),
    )
    return fn(misc32, bt)


def kernel(input_tokens, sampled_tokens, input_positions, seq_lens, slot_mapping,
           block_table, spec_tokens, accepted_num, num_seqs, num_queries, block_size):
    misc32 = jnp.concatenate([
        sampled_tokens.astype(jnp.int32),
        spec_tokens.astype(jnp.int32),
        input_positions[:, None].astype(jnp.int32),
        accepted_num[:, None].astype(jnp.int32),
    ], axis=1)
    out = _advance(misc32, block_table).astype(jnp.int64)
    return (out[0 * _N:1 * _N], out[1 * _N:2 * _N],
            out[2 * _N:3 * _N], out[3 * _N:4 * _N])

# --- scband reference (transcript-rebuilt; emitter-appended) ---
"""Pipeline reference for scband-model-new-17411797418168 (READ-ONLY COPY).

The authoritative reference and input builder live on the scoring server;
editing this copy changes nothing except your own understanding.
"""

import jax, jax.numpy as jnp
import numpy as np
jax.config.update("jax_enable_x64", True)


def setup_inputs(seed: int = 0) -> dict:
    key = jax.random.key(seed)
    ks = jax.random.split(key, 8)
    R = 1024                 # num_seqs / num_queries
    spec_num = 4             # draft tokens per request
    sampled_cols = spec_num + 1
    max_num_blocks = 256     # 32768 max context / block_size 128
    block_size = 128
    vocab = 32000
    input_tokens = jax.random.randint(ks[0], (R,), 0, vocab, dtype=jnp.int64)
    sampled_tokens = jax.random.randint(ks[1], (R, sampled_cols), 0, vocab, dtype=jnp.int64)
    input_positions = jax.random.randint(ks[2], (R,), 0, 30000, dtype=jnp.int64)
    seq_lens = input_positions + 1
    slot_mapping = jax.random.randint(ks[3], (R,), 0, max_num_blocks * block_size, dtype=jnp.int64)
    block_table = jax.random.randint(ks[4], (R, max_num_blocks), 0, R * max_num_blocks, dtype=jnp.int32)
    spec_tokens = jax.random.randint(ks[5], (R, spec_num), 0, vocab, dtype=jnp.int64)
    # accepted_num in [1, sampled_cols] so that (accepted_num - 1) is a valid column index
    accepted_num = jax.random.randint(ks[6], (R,), 1, sampled_cols + 1, dtype=jnp.int64)
    return {
        "input_tokens": input_tokens,
        "sampled_tokens": sampled_tokens,
        "input_positions": input_positions,
        "seq_lens": seq_lens,
        "slot_mapping": slot_mapping,
        "block_table": block_table,
        "spec_tokens": spec_tokens,
        "accepted_num": accepted_num,
        "num_seqs": R,
        "num_queries": R,
        "block_size": block_size,
    }


def reference(input_tokens, sampled_tokens, input_positions, seq_lens, slot_mapping,
              block_table, spec_tokens, accepted_num, num_seqs, num_queries, block_size):
    # Faithful reconstruction of vLLM-style advance_step_v2 for speculative decoding.
    # For each request i with acc = accepted_num[i] accepted tokens:
    #   next-step tokens = [sampled_tokens[i, acc-1], spec_tokens[i, 0..spec_num-1]]
    #   positions        = input_positions[i] + acc + j, j in [0, 1+spec_num)
    #   seq_lens         = position + 1
    #   slot_mapping     = block_table[i, pos // block_size] * block_size + pos % block_size
    # Outputs are scatter-written at flat index i * token_each_reqs + j, which in
    # row-major order is exactly a reshape(-1) of the [R, T] grids below.
    R = num_seqs
    spec_num = spec_tokens.shape[1]
    T = 1 + spec_num
    # gather the last accepted (bonus) token per request
    last_tok = jnp.take_along_axis(sampled_tokens, (accepted_num - 1)[:, None], axis=1)  # [R, 1]
    out_tokens = jnp.concatenate([last_tok, spec_tokens], axis=1)                        # [R, T]
    base = input_positions + accepted_num                                                # [R]
    positions = base[:, None] + jnp.arange(T, dtype=base.dtype)[None, :]                 # [R, T]
    new_seq_lens = positions + 1
    blk_idx = positions // block_size
    blk = jnp.take_along_axis(block_table.astype(jnp.int64), blk_idx, axis=1)            # [R, T]
    slots = blk * block_size + positions % block_size
    return (out_tokens.reshape(-1), positions.reshape(-1),
            new_seq_lens.reshape(-1), slots.reshape(-1))

if __name__ == "__main__":
    import jax
    _d = setup_inputs()
    print(jax.jit(kernel)(*tuple(_d.values())))

</pallas_src>

<mosaic_0001>
#map = affine_map<(d0, d1) -> (0, 0)>
#map1 = affine_map<(d0, d1) -> (0)>
module attributes {stable_mosaic.version = 14 : i64} {
  func.func @_body(%arg0: i32, %arg1: i32, %arg2: memref<1024x11xi32, #tpu.memory_space<hbm>>, %arg3: memref<1024x256xi32, #tpu.memory_space<hbm>>, %arg4: memref<20480xi32, #tpu.memory_space<hbm>>, %arg5: memref<64x11xi32, #tpu.memory_space<vmem>>, %arg6: memref<64x256xi32, #tpu.memory_space<vmem>>, %arg7: memref<320xi32, #tpu.memory_space<vmem>>, %arg8: memref<320xi32, #tpu.memory_space<vmem>>, %arg9: memref<320xi32, #tpu.memory_space<vmem>>, %arg10: memref<320xi32, #tpu.memory_space<vmem>>, %arg11: memref<!tpu.dma_semaphore, #tpu.memory_space<semaphore_mem>>, %arg12: memref<!tpu.dma_semaphore, #tpu.memory_space<semaphore_mem>>) attributes {dimension_semantics = [#tpu.dimension_semantics<core_parallel>, #tpu.dimension_semantics<subcore_parallel>], iteration_bounds = array<i64: 1, 16>, scalar_prefetch = 0 : i64, scratch_operands = 8 : i64, tpu.core_type = #tpu.core_type<sc_vector_subcore>, window_params = [{transform_indices = #map}, {transform_indices = #map}, {transform_indices = #map1}]} {
    %add3A = arith.addi %arg1, %arg0 : i32
    %mul3A = arith.constant 64 : i32
    %mul3A_0 = arith.muli %add3A, %mul3A : i32
    %mul3A_1 = arith.constant 320 : i32
    %mul3A_2 = arith.muli %add3A, %mul3A_1 : i32
    %dma_start3A = arith.constant 0 : i32
    %dma_start3A_3 = tpu.memref_slice %arg2[%mul3A_0, %dma_start3A] : memref<1024x11xi32, #tpu.memory_space<hbm>> -> memref<64x11xi32, #tpu.memory_space<hbm>>
    %dma_start3A_4 = arith.constant 0 : i32
    %dma_start3A_5 = tpu.memref_slice %arg2[%mul3A_0, %dma_start3A_4] : memref<1024x11xi32, #tpu.memory_space<hbm>> -> memref<64x11xi32, #tpu.memory_space<hbm>>
    tpu.enqueue_dma source(%dma_start3A_5 : memref<64x11xi32, #tpu.memory_space<hbm>>) target(%arg5 : memref<64x11xi32, #tpu.memory_space<vmem>>) target_semaphore(%arg11 : memref<!tpu.dma_semaphore, #tpu.memory_space<semaphore_mem>>)
    %dma_start3A_6 = arith.constant 0 : i32
    %dma_start3A_7 = tpu.memref_slice %arg3[%mul3A_0, %dma_start3A_6] : memref<1024x256xi32, #tpu.memory_space<hbm>> -> memref<64x256xi32, #tpu.memory_space<hbm>>
    %dma_start3A_8 = arith.constant 0 : i32
    %dma_start3A_9 = tpu.memref_slice %arg3[%mul3A_0, %dma_start3A_8] : memref<1024x256xi32, #tpu.memory_space<hbm>> -> memref<64x256xi32, #tpu.memory_space<hbm>>
    tpu.enqueue_dma source(%dma_start3A_9 : memref<64x256xi32, #tpu.memory_space<hbm>>) target(%arg6 : memref<64x256xi32, #tpu.memory_space<vmem>>) target_semaphore(%arg11 : memref<!tpu.dma_semaphore, #tpu.memory_space<semaphore_mem>>)
    %dma_wait3A = arith.constant 0 : i32
    %dma_wait3A_10 = tpu.memref_slice %arg2[%mul3A_0, %dma_wait3A] : memref<1024x11xi32, #tpu.memory_space<hbm>> -> memref<64x11xi32, #tpu.memory_space<hbm>>
    %dma_wait3A_11 = arith.constant 0 : i32
    %dma_wait3A_12 = tpu.memref_slice %arg2[%mul3A_0, %dma_wait3A_11] : memref<1024x11xi32, #tpu.memory_space<hbm>> -> memref<64x11xi32, #tpu.memory_space<hbm>>
    tpu.wait_dma2 semaphore(%arg11 : memref<!tpu.dma_semaphore, #tpu.memory_space<semaphore_mem>>) src(%dma_wait3A_12 : memref<64x11xi32, #tpu.memory_space<hbm>>) dst(%arg5 : memref<64x11xi32, #tpu.memory_space<vmem>>)
    %iota3A = tpu.iota {dimensions = array<i32: 0>} : vector<16xi32>
    %add3A_13 = arith.constant 0 : i32
    %add3A_14 = vector.broadcast %add3A_13 : i32 to vector<16xi32>
    %add3A_15 = arith.addi %iota3A, %add3A_14 : vector<16xi32>
    %mul3A_16 = arith.constant 0 : i32
    %mul3A_17 = vector.broadcast %mul3A_16 : i32 to vector<16xi32>
    %mul3A_18 = arith.muli %add3A_15, %mul3A_17 : vector<16xi32>
    %add3A_19 = arith.constant 9 : i32
    %add3A_20 = vector.broadcast %add3A_19 : i32 to vector<16xi32>
    %add3A_21 = arith.addi %mul3A_18, %add3A_20 : vector<16xi32>
    %gather3A = tpu.vector_load_idx %arg5[%add3A_15, %add3A_21] : memref<64x11xi32, #tpu.memory_space<vmem>>[vector<16xi32>, vector<16xi32>], vector<16xi32>,
    %add3A_22 = arith.constant 10 : i32
    %add3A_23 = vector.broadcast %add3A_22 : i32 to vector<16xi32>
    %add3A_24 = arith.addi %mul3A_18, %add3A_23 : vector<16xi32>
    %gather3A_25 = tpu.vector_load_idx %arg5[%add3A_15, %add3A_24] : memref<64x11xi32, #tpu.memory_space<vmem>>[vector<16xi32>, vector<16xi32>], vector<16xi32>,
    %add3A_26 = arith.addi %gather3A, %gather3A_25 : vector<16xi32>
    %sub3A = arith.constant 1 : i32
    %sub3A_27 = vector.broadcast %sub3A : i32 to vector<16xi32>
    %sub3A_28 = arith.subi %gather3A_25, %sub3A_27 : vector<16xi32>
    %gather3A_29 = tpu.vector_load_idx %arg5[%add3A_15, %sub3A_28] : memref<64x11xi32, #tpu.memory_space<vmem>>[vector<16xi32>, vector<16xi32>], vector<16xi32>,
    %mul3A_30 = arith.constant 5 : i32
    %mul3A_31 = vector.broadcast %mul3A_30 : i32 to vector<16xi32>
    %mul3A_32 = arith.muli %add3A_15, %mul3A_31 : vector<16xi32>
    %add3A_33 = arith.constant 0 : i32
    %add3A_34 = vector.broadcast %add3A_33 : i32 to vector<16xi32>
    %add3A_35 = arith.addi %mul3A_32, %add3A_34 : vector<16xi32>
    %add3A_36 = arith.constant 0 : i32
    %add3A_37 = vector.broadcast %add3A_36 : i32 to vector<16xi32>
    %add3A_38 = arith.addi %add3A_26, %add3A_37 : vector<16xi32>
    tpu.vector_store_idx %arg7[%add3A_35], %gather3A_29 : memref<320xi32, #tpu.memory_space<vmem>>[vector<16xi32>], vector<16xi32>,
    tpu.vector_store_idx %arg8[%add3A_35], %add3A_38 : memref<320xi32, #tpu.memory_space<vmem>>[vector<16xi32>], vector<16xi32>,
    %add3A_39 = arith.constant 1 : i32
    %add3A_40 = vector.broadcast %add3A_39 : i32 to vector<16xi32>
    %add3A_41 = arith.addi %add3A_38, %add3A_40 : vector<16xi32>
    tpu.vector_store_idx %arg9[%add3A_35], %add3A_41 : memref<320xi32, #tpu.memory_space<vmem>>[vector<16xi32>], vector<16xi32>,
    %mul3A_42 = arith.constant 5 : i32
    %mul3A_43 = vector.broadcast %mul3A_42 : i32 to vector<16xi32>
    %mul3A_44 = arith.muli %add3A_15, %mul3A_43 : vector<16xi32>
    %add3A_45 = arith.constant 1 : i32
    %add3A_46 = vector.broadcast %add3A_45 : i32 to vector<16xi32>
    %add3A_47 = arith.addi %mul3A_44, %add3A_46 : vector<16xi32>
    %add3A_48 = arith.constant 1 : i32
    %add3A_49 = vector.broadcast %add3A_48 : i32 to vector<16xi32>
    %add3A_50 = arith.addi %add3A_26, %add3A_49 : vector<16xi32>
    %add3A_51 = arith.constant 5 : i32
    %add3A_52 = vector.broadcast %add3A_51 : i32 to vector<16xi32>
    %add3A_53 = arith.addi %mul3A_18, %add3A_52 : vector<16xi32>
    %gather3A_54 = tpu.vector_load_idx %arg5[%add3A_15, %add3A_53] : memref<64x11xi32, #tpu.memory_space<vmem>>[vector<16xi32>, vector<16xi32>], vector<16xi32>,
    tpu.vector_store_idx %arg7[%add3A_47], %gather3A_54 : memref<320xi32, #tpu.memory_space<vmem>>[vector<16xi32>], vector<16xi32>,
    tpu.vector_store_idx %arg8[%add3A_47], %add3A_50 : memref<320xi32, #tpu.memory_space<vmem>>[vector<16xi32>], vector<16xi32>,
    %add3A_55 = arith.constant 1 : i32
    %add3A_56 = vector.broadcast %add3A_55 : i32 to vector<16xi32>
    %add3A_57 = arith.addi %add3A_50, %add3A_56 : vector<16xi32>
    tpu.vector_store_idx %arg9[%add3A_47], %add3A_57 : memref<320xi32, #tpu.memory_space<vmem>>[vector<16xi32>], vector<16xi32>,
    %mul3A_58 = arith.constant 5 : i32
    %mul3A_59 = vector.broadcast %mul3A_58 : i32 to vector<16xi32>
    %mul3A_60 = arith.muli %add3A_15, %mul3A_59 : vector<16xi32>
    %add3A_61 = arith.constant 2 : i32
    %add3A_62 = vector.broadcast %add3A_61 : i32 to vector<16xi32>
    %add3A_63 = arith.addi %mul3A_60, %add3A_62 : vector<16xi32>
    %add3A_64 = arith.constant 2 : i32
    %add3A_65 = vector.broadcast %add3A_64 : i32 to vector<16xi32>
    %add3A_66 = arith.addi %add3A_26, %add3A_65 : vector<16xi32>
    %add3A_67 = arith.constant 6 : i32
    %add3A_68 = vector.broadcast %add3A_67 : i32 to vector<16xi32>
    %add3A_69 = arith.addi %mul3A_18, %add3A_68 : vector<16xi32>
    %gather3A_70 = tpu.vector_load_idx %arg5[%add3A_15, %add3A_69] : memref<64x11xi32, #tpu.memory_space<vmem>>[vector<16xi32>, vector<16xi32>], vector<16xi32>,
    tpu.vector_store_idx %arg7[%add3A_63], %gather3A_70 : memref<320xi32, #tpu.memory_space<vmem>>[vector<16xi32>], vector<16xi32>,
    tpu.vector_store_idx %arg8[%add3A_63], %add3A_66 : memref<320xi32, #tpu.memory_space<vmem>>[vector<16xi32>], vector<16xi32>,
    %add3A_71 = arith.constant 1 : i32
    %add3A_72 = vector.broadcast %add3A_71 : i32 to vector<16xi32>
    %add3A_73 = arith.addi %add3A_66, %add3A_72 : vector<16xi32>
    tpu.vector_store_idx %arg9[%add3A_63], %add3A_73 : memref<320xi32, #tpu.memory_space<vmem>>[vector<16xi32>], vector<16xi32>,
    %mul3A_74 = arith.constant 5 : i32
    %mul3A_75 = vector.broadcast %mul3A_74 : i32 to vector<16xi32>
    %mul3A_76 = arith.muli %add3A_15, %mul3A_75 : vector<16xi32>
    %add3A_77 = arith.constant 3 : i32
    %add3A_78 = vector.broadcast %add3A_77 : i32 to vector<16xi32>
    %add3A_79 = arith.addi %mul3A_76, %add3A_78 : vector<16xi32>
    %add3A_80 = arith.constant 3 : i32
    %add3A_81 = vector.broadcast %add3A_80 : i32 to vector<16xi32>
    %add3A_82 = arith.addi %add3A_26, %add3A_81 : vector<16xi32>
    %add3A_83 = arith.constant 7 : i32
    %add3A_84 = vector.broadcast %add3A_83 : i32 to vector<16xi32>
    %add3A_85 = arith.addi %mul3A_18, %add3A_84 : vector<16xi32>
    %gather3A_86 = tpu.vector_load_idx %arg5[%add3A_15, %add3A_85] : memref<64x11xi32, #tpu.memory_space<vmem>>[vector<16xi32>, vector<16xi32>], vector<16xi32>,
    tpu.vector_store_idx %arg7[%add3A_79], %gather3A_86 : memref<320xi32, #tpu.memory_space<vmem>>[vector<16xi32>], vector<16xi32>,
    tpu.vector_store_idx %arg8[%add3A_79], %add3A_82 : memref<320xi32, #tpu.memory_space<vmem>>[vector<16xi32>], vector<16xi32>,
    %add3A_87 = arith.constant 1 : i32
    %add3A_88 = vector.broadcast %add3A_87 : i32 to vector<16xi32>
    %add3A_89 = arith.addi %add3A_82, %add3A_88 : vector<16xi32>
    tpu.vector_store_idx %arg9[%add3A_79], %add3A_89 : memref<320xi32, #tpu.memory_space<vmem>>[vector<16xi32>], vector<16xi32>,
    %mul3A_90 = arith.constant 5 : i32
    %mul3A_91 = vector.broadcast %mul3A_90 : i32 to vector<16xi32>
    %mul3A_92 = arith.muli %add3A_15, %mul3A_91 : vector<16xi32>
    %add3A_93 = arith.constant 4 : i32
    %add3A_94 = vector.broadcast %add3A_93 : i32 to vector<16xi32>
    %add3A_95 = arith.addi %mul3A_92, %add3A_94 : vector<16xi32>
    %add3A_96 = arith.constant 4 : i32
    %add3A_97 = vector.broadcast %add3A_96 : i32 to vector<16xi32>
    %add3A_98 = arith.addi %add3A_26, %add3A_97 : vector<16xi32>
    %add3A_99 = arith.constant 8 : i32
    %add3A_100 = vector.broadcast %add3A_99 : i32 to vector<16xi32>
    %add3A_101 = arith.addi %mul3A_18, %add3A_100 : vector<16xi32>
    %gather3A_102 = tpu.vector_load_idx %arg5[%add3A_15, %add3A_101] : memref<64x11xi32, #tpu.memory_space<vmem>>[vector<16xi32>, vector<16xi32>], vector<16xi32>,
    tpu.vector_store_idx %arg7[%add3A_95], %gather3A_102 : memref<320xi32, #tpu.memory_space<vmem>>[vector<16xi32>], vector<16xi32>,
    tpu.vector_store_idx %arg8[%add3A_95], %add3A_98 : memref<320xi32, #tpu.memory_space<vmem>>[vector<16xi32>], vector<16xi32>,
    %add3A_103 = arith.constant 1 : i32
    %add3A_104 = vector.broadcast %add3A_103 : i32 to vector<16xi32>
    %add3A_105 = arith.addi %add3A_98, %add3A_104 : vector<16xi32>
    tpu.vector_store_idx %arg9[%add3A_95], %add3A_105 : memref<320xi32, #tpu.memory_space<vmem>>[vector<16xi32>], vector<16xi32>,
    %iota3A_106 = tpu.iota {dimensions = array<i32: 0>} : vector<16xi32>
    %add3A_107 = arith.constant 16 : i32
    %add3A_108 = vector.broadcast %add3A_107 : i32 to vector<16xi32>
    %add3A_109 = arith.addi %iota3A_106, %add3A_108 : vector<16xi32>
    %mul3A_110 = arith.constant 0 : i32
    %mul3A_111 = vector.broadcast %mul3A_110 : i32 to vector<16xi32>
    %mul3A_112 = arith.muli %add3A_109, %mul3A_111 : vector<16xi32>
    %add3A_113 = arith.constant 9 : i32
    %add3A_114 = vector.broadcast %add3A_113 : i32 to vector<16xi32>
    %add3A_115 = arith.addi %mul3A_112, %add3A_114 : vector<16xi32>
    %gather3A_116 = tpu.vector_load_idx %arg5[%add3A_109, %add3A_115] : memref<64x11xi32, #tpu.memory_space<vmem>>[vector<16xi32>, vector<16xi32>], vector<16xi32>,
    %add3A_117 = arith.constant 10 : i32
    %add3A_118 = vector.broadcast %add3A_117 : i32 to vector<16xi32>
    %add3A_119 = arith.addi %mul3A_112, %add3A_118 : vector<16xi32>
    %gather3A_120 = tpu.vector_load_idx %arg5[%add3A_109, %add3A_119] : memref<64x11xi32, #tpu.memory_space<vmem>>[vector<16xi32>, vector<16xi32>], vector<16xi32>,
    %add3A_121 = arith.addi %gather3A_116, %gather3A_120 : vector<16xi32>
    %sub3A_122 = arith.constant 1 : i32
    %sub3A_123 = vector.broadcast %sub3A_122 : i32 to vector<16xi32>
    %sub3A_124 = arith.subi %gather3A_120, %sub3A_123 : vector<16xi32>
    %gather3A_125 = tpu.vector_load_idx %arg5[%add3A_109, %sub3A_124] : memref<64x11xi32, #tpu.memory_space<vmem>>[vector<16xi32>, vector<16xi32>], vector<16xi32>,
    %mul3A_126 = arith.constant 5 : i32
    %mul3A_127 = vector.broadcast %mul3A_126 : i32 to vector<16xi32>
    %mul3A_128 = arith.muli %add3A_109, %mul3A_127 : vector<16xi32>
    %add3A_129 = arith.constant 0 : i32
    %add3A_130 = vector.broadcast %add3A_129 : i32 to vector<16xi32>
    %add3A_131 = arith.addi %mul3A_128, %add3A_130 : vector<16xi32>
    %add3A_132 = arith.constant 0 : i32
    %add3A_133 = vector.broadcast %add3A_132 : i32 to vector<16xi32>
    %add3A_134 = arith.addi %add3A_121, %add3A_133 : vector<16xi32>
    tpu.vector_store_idx %arg7[%add3A_131], %gather3A_125 : memref<320xi32, #tpu.memory_space<vmem>>[vector<16xi32>], vector<16xi32>,
    tpu.vector_store_idx %arg8[%add3A_131], %add3A_134 : memref<320xi32, #tpu.memory_space<vmem>>[vector<16xi32>], vector<16xi32>,
    %add3A_135 = arith.constant 1 : i32
    %add3A_136 = vector.broadcast %add3A_135 : i32 to vector<16xi32>
    %add3A_137 = arith.addi %add3A_134, %add3A_136 : vector<16xi32>
    tpu.vector_store_idx %arg9[%add3A_131], %add3A_137 : memref<320xi32, #tpu.memory_space<vmem>>[vector<16xi32>], vector<16xi32>,
    %mul3A_138 = arith.constant 5 : i32
    %mul3A_139 = vector.broadcast %mul3A_138 : i32 to vector<16xi32>
    %mul3A_140 = arith.muli %add3A_109, %mul3A_139 : vector<16xi32>
    %add3A_141 = arith.constant 1 : i32
    %add3A_142 = vector.broadcast %add3A_141 : i32 to vector<16xi32>
    %add3A_143 = arith.addi %mul3A_140, %add3A_142 : vector<16xi32>
    %add3A_144 = arith.constant 1 : i32
    %add3A_145 = vector.broadcast %add3A_144 : i32 to vector<16xi32>
    %add3A_146 = arith.addi %add3A_121, %add3A_145 : vector<16xi32>
    %add3A_147 = arith.constant 5 : i32
    %add3A_148 = vector.broadcast %add3A_147 : i32 to vector<16xi32>
    %add3A_149 = arith.addi %mul3A_112, %add3A_148 : vector<16xi32>
    %gather3A_150 = tpu.vector_load_idx %arg5[%add3A_109, %add3A_149] : memref<64x11xi32, #tpu.memory_space<vmem>>[vector<16xi32>, vector<16xi32>], vector<16xi32>,
    tpu.vector_store_idx %arg7[%add3A_143], %gather3A_150 : memref<320xi32, #tpu.memory_space<vmem>>[vector<16xi32>], vector<16xi32>,
    tpu.vector_store_idx %arg8[%add3A_143], %add3A_146 : memref<320xi32, #tpu.memory_space<vmem>>[vector<16xi32>], vector<16xi32>,
    %add3A_151 = arith.constant 1 : i32
    %add3A_152 = vector.broadcast %add3A_151 : i32 to vector<16xi32>
    %add3A_153 = arith.addi %add3A_146, %add3A_152 : vector<16xi32>
    tpu.vector_store_idx %arg9[%add3A_143], %add3A_153 : memref<320xi32, #tpu.memory_space<vmem>>[vector<16xi32>], vector<16xi32>,
    %mul3A_154 = arith.constant 5 : i32
    %mul3A_155 = vector.broadcast %mul3A_154 : i32 to vector<16xi32>
    %mul3A_156 = arith.muli %add3A_109, %mul3A_155 : vector<16xi32>
    %add3A_157 = arith.constant 2 : i32
    %add3A_158 = vector.broadcast %add3A_157 : i32 to vector<16xi32>
    %add3A_159 = arith.addi %mul3A_156, %add3A_158 : vector<16xi32>
    %add3A_160 = arith.constant 2 : i32
    %add3A_161 = vector.broadcast %add3A_160 : i32 to vector<16xi32>
    %add3A_162 = arith.addi %add3A_121, %add3A_161 : vector<16xi32>
    %add3A_163 = arith.constant 6 : i32
    %add3A_164 = vector.broadcast %add3A_163 : i32 to vector<16xi32>
    %add3A_165 = arith.addi %mul3A_112, %add3A_164 : vector<16xi32>
    %gather3A_166 = tpu.vector_load_idx %arg5[%add3A_109, %add3A_165] : memref<64x11xi32, #tpu.memory_space<vmem>>[vector<16xi32>, vector<16xi32>], vector<16xi32>,
    tpu.vector_store_idx %arg7[%add3A_159], %gather3A_166 : memref<320xi32, #tpu.memory_space<vmem>>[vector<16xi32>], vector<16xi32>,
    tpu.vector_store_idx %arg8[%add3A_159], %add3A_162 : memref<320xi32, #tpu.memory_space<vmem>>[vector<16xi32>], vector<16xi32>,
    %add3A_167 = arith.constant 1 : i32
    %add3A_168 = vector.broadcast %add3A_167 : i32 to vector<16xi32>
    %add3A_169 = arith.addi %add3A_162, %add3A_168 : vector<16xi32>
    tpu.vector_store_idx %arg9[%add3A_159], %add3A_169 : memref<320xi32, #tpu.memory_space<vmem>>[vector<16xi32>], vector<16xi32>,
    %mul3A_170 = arith.constant 5 : i32
    %mul3A_171 = vector.broadcast %mul3A_170 : i32 to vector<16xi32>
    %mul3A_172 = arith.muli %add3A_109, %mul3A_171 : vector<16xi32>
    %add3A_173 = arith.constant 3 : i32
    %add3A_174 = vector.broadcast %add3A_173 : i32 to vector<16xi32>
    %add3A_175 = arith.addi %mul3A_172, %add3A_174 : vector<16xi32>
    %add3A_176 = arith.constant 3 : i32
    %add3A_177 = vector.broadcast %add3A_176 : i32 to vector<16xi32>
    %add3A_178 = arith.addi %add3A_121, %add3A_177 : vector<16xi32>
    %add3A_179 = arith.constant 7 : i32
    %add3A_180 = vector.broadcast %add3A_179 : i32 to vector<16xi32>
    %add3A_181 = arith.addi %mul3A_112, %add3A_180 : vector<16xi32>
    %gather3A_182 = tpu.vector_load_idx %arg5[%add3A_109, %add3A_181] : memref<64x11xi32, #tpu.memory_space<vmem>>[vector<16xi32>, vector<16xi32>], vector<16xi32>,
    tpu.vector_store_idx %arg7[%add3A_175], %gather3A_182 : memref<320xi32, #tpu.memory_space<vmem>>[vector<16xi32>], vector<16xi32>,
    tpu.vector_store_idx %arg8[%add3A_175], %add3A_178 : memref<320xi32, #tpu.memory_space<vmem>>[vector<16xi32>], vector<16xi32>,
    %add3A_183 = arith.constant 1 : i32
    %add3A_184 = vector.broadcast %add3A_183 : i32 to vector<16xi32>
    %add3A_185 = arith.addi %add3A_178, %add3A_184 : vector<16xi32>
    tpu.vector_store_idx %arg9[%add3A_175], %add3A_185 : memref<320xi32, #tpu.memory_space<vmem>>[vector<16xi32>], vector<16xi32>,
    %mul3A_186 = arith.constant 5 : i32
    %mul3A_187 = vector.broadcast %mul3A_186 : i32 to vector<16xi32>
    %mul3A_188 = arith.muli %add3A_109, %mul3A_187 : vector<16xi32>
    %add3A_189 = arith.constant 4 : i32
    %add3A_190 = vector.broadcast %add3A_189 : i32 to vector<16xi32>
    %add3A_191 = arith.addi %mul3A_188, %add3A_190 : vector<16xi32>
    %add3A_192 = arith.constant 4 : i32
    %add3A_193 = vector.broadcast %add3A_192 : i32 to vector<16xi32>
    %add3A_194 = arith.addi %add3A_121, %add3A_193 : vector<16xi32>
    %add3A_195 = arith.constant 8 : i32
    %add3A_196 = vector.broadcast %add3A_195 : i32 to vector<16xi32>
    %add3A_197 = arith.addi %mul3A_112, %add3A_196 : vector<16xi32>
    %gather3A_198 = tpu.vector_load_idx %arg5[%add3A_109, %add3A_197] : memref<64x11xi32, #tpu.memory_space<vmem>>[vector<16xi32>, vector<16xi32>], vector<16xi32>,
    tpu.vector_store_idx %arg7[%add3A_191], %gather3A_198 : memref<320xi32, #tpu.memory_space<vmem>>[vector<16xi32>], vector<16xi32>,
    tpu.vector_store_idx %arg8[%add3A_191], %add3A_194 : memref<320xi32, #tpu.memory_space<vmem>>[vector<16xi32>], vector<16xi32>,
    %add3A_199 = arith.constant 1 : i32
    %add3A_200 = vector.broadcast %add3A_199 : i32 to vector<16xi32>
    %add3A_201 = arith.addi %add3A_194, %add3A_200 : vector<16xi32>
    tpu.vector_store_idx %arg9[%add3A_191], %add3A_201 : memref<320xi32, #tpu.memory_space<vmem>>[vector<16xi32>], vector<16xi32>,
    %iota3A_202 = tpu.iota {dimensions = array<i32: 0>} : vector<16xi32>
    %add3A_203 = arith.constant 32 : i32
    %add3A_204 = vector.broadcast %add3A_203 : i32 to vector<16xi32>
    %add3A_205 = arith.addi %iota3A_202, %add3A_204 : vector<16xi32>
    %mul3A_206 = arith.constant 0 : i32
    %mul3A_207 = vector.broadcast %mul3A_206 : i32 to vector<16xi32>
    %mul3A_208 = arith.muli %add3A_205, %mul3A_207 : vector<16xi32>
    %add3A_209 = arith.constant 9 : i32
    %add3A_210 = vector.broadcast %add3A_209 : i32 to vector<16xi32>
    %add3A_211 = arith.addi %mul3A_208, %add3A_210 : vector<16xi32>
    %gather3A_212 = tpu.vector_load_idx %arg5[%add3A_205, %add3A_211] : memref<64x11xi32, #tpu.memory_space<vmem>>[vector<16xi32>, vector<16xi32>], vector<16xi32>,
    %add3A_213 = arith.constant 10 : i32
    %add3A_214 = vector.broadcast %add3A_213 : i32 to vector<16xi32>
    %add3A_215 = arith.addi %mul3A_208, %add3A_214 : vector<16xi32>
    %gather3A_216 = tpu.vector_load_idx %arg5[%add3A_205, %add3A_215] : memref<64x11xi32, #tpu.memory_space<vmem>>[vector<16xi32>, vector<16xi32>], vector<16xi32>,
    %add3A_217 = arith.addi %gather3A_212, %gather3A_216 : vector<16xi32>
    %sub3A_218 = arith.constant 1 : i32
    %sub3A_219 = vector.broadcast %sub3A_218 : i32 to vector<16xi32>
    %sub3A_220 = arith.subi %gather3A_216, %sub3A_219 : vector<16xi32>
    %gather3A_221 = tpu.vector_load_idx %arg5[%add3A_205, %sub3A_220] : memref<64x11xi32, #tpu.memory_space<vmem>>[vector<16xi32>, vector<16xi32>], vector<16xi32>,
    %mul3A_222 = arith.constant 5 : i32
    %mul3A_223 = vector.broadcast %mul3A_222 : i32 to vector<16xi32>
    %mul3A_224 = arith.muli %add3A_205, %mul3A_223 : vector<16xi32>
    %add3A_225 = arith.constant 0 : i32
    %add3A_226 = vector.broadcast %add3A_225 : i32 to vector<16xi32>
    %add3A_227 = arith.addi %mul3A_224, %add3A_226 : vector<16xi32>
    %add3A_228 = arith.constant 0 : i32
    %add3A_229 = vector.broadcast %add3A_228 : i32 to vector<16xi32>
    %add3A_230 = arith.addi %add3A_217, %add3A_229 : vector<16xi32>
    tpu.vector_store_idx %arg7[%add3A_227], %gather3A_221 : memref<320xi32, #tpu.memory_space<vmem>>[vector<16xi32>], vector<16xi32>,
    tpu.vector_store_idx %arg8[%add3A_227], %add3A_230 : memref<320xi32, #tpu.memory_space<vmem>>[vector<16xi32>], vector<16xi32>,
    %add3A_231 = arith.constant 1 : i32
    %add3A_232 = vector.broadcast %add3A_231 : i32 to vector<16xi32>
    %add3A_233 = arith.addi %add3A_230, %add3A_232 : vector<16xi32>
    tpu.vector_store_idx %arg9[%add3A_227], %add3A_233 : memref<320xi32, #tpu.memory_space<vmem>>[vector<16xi32>], vector<16xi32>,
    %mul3A_234 = arith.constant 5 : i32
    %mul3A_235 = vector.broadcast %mul3A_234 : i32 to vector<16xi32>
    %mul3A_236 = arith.muli %add3A_205, %mul3A_235 : vector<16xi32>
    %add3A_237 = arith.constant 1 : i32
    %add3A_238 = vector.broadcast %add3A_237 : i32 to vector<16xi32>
    %add3A_239 = arith.addi %mul3A_236, %add3A_238 : vector<16xi32>
    %add3A_240 = arith.constant 1 : i32
    %add3A_241 = vector.broadcast %add3A_240 : i32 to vector<16xi32>
    %add3A_242 = arith.addi %add3A_217, %add3A_241 : vector<16xi32>
    %add3A_243 = arith.constant 5 : i32
    %add3A_244 = vector.broadcast %add3A_243 : i32 to vector<16xi32>
    %add3A_245 = arith.addi %mul3A_208, %add3A_244 : vector<16xi32>
    %gather3A_246 = tpu.vector_load_idx %arg5[%add3A_205, %add3A_245] : memref<64x11xi32, #tpu.memory_space<vmem>>[vector<16xi32>, vector<16xi32>], vector<16xi32>,
    tpu.vector_store_idx %arg7[%add3A_239], %gather3A_246 : memref<320xi32, #tpu.memory_space<vmem>>[vector<16xi32>], vector<16xi32>,
    tpu.vector_store_idx %arg8[%add3A_239], %add3A_242 : memref<320xi32, #tpu.memory_space<vmem>>[vector<16xi32>], vector<16xi32>,
    %add3A_247 = arith.constant 1 : i32
    %add3A_248 = vector.broadcast %add3A_247 : i32 to vector<16xi32>
    %add3A_249 = arith.addi %add3A_242, %add3A_248 : vector<16xi32>
    tpu.vector_store_idx %arg9[%add3A_239], %add3A_249 : memref<320xi32, #tpu.memory_space<vmem>>[vector<16xi32>], vector<16xi32>,
    %mul3A_250 = arith.constant 5 : i32
    %mul3A_251 = vector.broadcast %mul3A_250 : i32 to vector<16xi32>
    %mul3A_252 = arith.muli %add3A_205, %mul3A_251 : vector<16xi32>
    %add3A_253 = arith.constant 2 : i32
    %add3A_254 = vector.broadcast %add3A_253 : i32 to vector<16xi32>
    %add3A_255 = arith.addi %mul3A_252, %add3A_254 : vector<16xi32>
    %add3A_256 = arith.constant 2 : i32
    %add3A_257 = vector.broadcast %add3A_256 : i32 to vector<16xi32>
    %add3A_258 = arith.addi %add3A_217, %add3A_257 : vector<16xi32>
    %add3A_259 = arith.constant 6 : i32
    %add3A_260 = vector.broadcast %add3A_259 : i32 to vector<16xi32>
    %add3A_261 = arith.addi %mul3A_208, %add3A_260 : vector<16xi32>
    %gather3A_262 = tpu.vector_load_idx %arg5[%add3A_205, %add3A_261] : memref<64x11xi32, #tpu.memory_space<vmem>>[vector<16xi32>, vector<16xi32>], vector<16xi32>,
    tpu.vector_store_idx %arg7[%add3A_255], %gather3A_262 : memref<320xi32, #tpu.memory_space<vmem>>[vector<16xi32>], vector<16xi32>,
    tpu.vector_store_idx %arg8[%add3A_255], %add3A_258 : memref<320xi32, #tpu.memory_space<vmem>>[vector<16xi32>], vector<16xi32>,
    %add3A_263 = arith.constant 1 : i32
    %add3A_264 = vector.broadcast %add3A_263 : i32 to vector<16xi32>
    %add3A_265 = arith.addi %add3A_258, %add3A_264 : vector<16xi32>
    tpu.vector_store_idx %arg9[%add3A_255], %add3A_265 : memref<320xi32, #tpu.memory_space<vmem>>[vector<16xi32>], vector<16xi32>,
    %mul3A_266 = arith.constant 5 : i32
    %mul3A_267 = vector.broadcast %mul3A_266 : i32 to vector<16xi32>
    %mul3A_268 = arith.muli %add3A_205, %mul3A_267 : vector<16xi32>
    %add3A_269 = arith.constant 3 : i32
    %add3A_270 = vector.broadcast %add3A_269 : i32 to vector<16xi32>
    %add3A_271 = arith.addi %mul3A_268, %add3A_270 : vector<16xi32>
    %add3A_272 = arith.constant 3 : i32
    %add3A_273 = vector.broadcast %add3A_272 : i32 to vector<16xi32>
    %add3A_274 = arith.addi %add3A_217, %add3A_273 : vector<16xi32>
    %add3A_275 = arith.constant 7 : i32
    %add3A_276 = vector.broadcast %add3A_275 : i32 to vector<16xi32>
    %add3A_277 = arith.addi %mul3A_208, %add3A_276 : vector<16xi32>
    %gather3A_278 = tpu.vector_load_idx %arg5[%add3A_205, %add3A_277] : memref<64x11xi32, #tpu.memory_space<vmem>>[vector<16xi32>, vector<16xi32>], vector<16xi32>,
    tpu.vector_store_idx %arg7[%add3A_271], %gather3A_278 : memref<320xi32, #tpu.memory_space<vmem>>[vector<16xi32>], vector<16xi32>,
    tpu.vector_store_idx %arg8[%add3A_271], %add3A_274 : memref<320xi32, #tpu.memory_space<vmem>>[vector<16xi32>], vector<16xi32>,
    %add3A_279 = arith.constant 1 : i32
    %add3A_280 = vector.broadcast %add3A_279 : i32 to vector<16xi32>
    %add3A_281 = arith.addi %add3A_274, %add3A_280 : vector<16xi32>
    tpu.vector_store_idx %arg9[%add3A_271], %add3A_281 : memref<320xi32, #tpu.memory_space<vmem>>[vector<16xi32>], vector<16xi32>,
    %mul3A_282 = arith.constant 5 : i32
    %mul3A_283 = vector.broadcast %mul3A_282 : i32 to vector<16xi32>
    %mul3A_284 = arith.muli %add3A_205, %mul3A_283 : vector<16xi32>
    %add3A_285 = arith.constant 4 : i32
    %add3A_286 = vector.broadcast %add3A_285 : i32 to vector<16xi32>
    %add3A_287 = arith.addi %mul3A_284, %add3A_286 : vector<16xi32>
    %add3A_288 = arith.constant 4 : i32
    %add3A_289 = vector.broadcast %add3A_288 : i32 to vector<16xi32>
    %add3A_290 = arith.addi %add3A_217, %add3A_289 : vector<16xi32>
    %add3A_291 = arith.constant 8 : i32
    %add3A_292 = vector.broadcast %add3A_291 : i32 to vector<16xi32>
    %add3A_293 = arith.addi %mul3A_208, %add3A_292 : vector<16xi32>
    %gather3A_294 = tpu.vector_load_idx %arg5[%add3A_205, %add3A_293] : memref<64x11xi32, #tpu.memory_space<vmem>>[vector<16xi32>, vector<16xi32>], vector<16xi32>,
    tpu.vector_store_idx %arg7[%add3A_287], %gather3A_294 : memref<320xi32, #tpu.memory_space<vmem>>[vector<16xi32>], vector<16xi32>,
    tpu.vector_store_idx %arg8[%add3A_287], %add3A_290 : memref<320xi32, #tpu.memory_space<vmem>>[vector<16xi32>], vector<16xi32>,
    %add3A_295 = arith.constant 1 : i32
    %add3A_296 = vector.broadcast %add3A_295 : i32 to vector<16xi32>
    %add3A_297 = arith.addi %add3A_290, %add3A_296 : vector<16xi32>
    tpu.vector_store_idx %arg9[%add3A_287], %add3A_297 : memref<320xi32, #tpu.memory_space<vmem>>[vector<16xi32>], vector<16xi32>,
    %iota3A_298 = tpu.iota {dimensions = array<i32: 0>} : vector<16xi32>
    %add3A_299 = arith.constant 48 : i32
    %add3A_300 = vector.broadcast %add3A_299 : i32 to vector<16xi32>
    %add3A_301 = arith.addi %iota3A_298, %add3A_300 : vector<16xi32>
    %mul3A_302 = arith.constant 0 : i32
    %mul3A_303 = vector.broadcast %mul3A_302 : i32 to vector<16xi32>
    %mul3A_304 = arith.muli %add3A_301, %mul3A_303 : vector<16xi32>
    %add3A_305 = arith.constant 9 : i32
    %add3A_306 = vector.broadcast %add3A_305 : i32 to vector<16xi32>
    %add3A_307 = arith.addi %mul3A_304, %add3A_306 : vector<16xi32>
    %gather3A_308 = tpu.vector_load_idx %arg5[%add3A_301, %add3A_307] : memref<64x11xi32, #tpu.memory_space<vmem>>[vector<16xi32>, vector<16xi32>], vector<16xi32>,
    %add3A_309 = arith.constant 10 : i32
    %add3A_310 = vector.broadcast %add3A_309 : i32 to vector<16xi32>
    %add3A_311 = arith.addi %mul3A_304, %add3A_310 : vector<16xi32>
    %gather3A_312 = tpu.vector_load_idx %arg5[%add3A_301, %add3A_311] : memref<64x11xi32, #tpu.memory_space<vmem>>[vector<16xi32>, vector<16xi32>], vector<16xi32>,
    %add3A_313 = arith.addi %gather3A_308, %gather3A_312 : vector<16xi32>
    %sub3A_314 = arith.constant 1 : i32
    %sub3A_315 = vector.broadcast %sub3A_314 : i32 to vector<16xi32>
    %sub3A_316 = arith.subi %gather3A_312, %sub3A_315 : vector<16xi32>
    %gather3A_317 = tpu.vector_load_idx %arg5[%add3A_301, %sub3A_316] : memref<64x11xi32, #tpu.memory_space<vmem>>[vector<16xi32>, vector<16xi32>], vector<16xi32>,
    %mul3A_318 = arith.constant 5 : i32
    %mul3A_319 = vector.broadcast %mul3A_318 : i32 to vector<16xi32>
    %mul3A_320 = arith.muli %add3A_301, %mul3A_319 : vector<16xi32>
    %add3A_321 = arith.constant 0 : i32
    %add3A_322 = vector.broadcast %add3A_321 : i32 to vector<16xi32>
    %add3A_323 = arith.addi %mul3A_320, %add3A_322 : vector<16xi32>
    %add3A_324 = arith.constant 0 : i32
    %add3A_325 = vector.broadcast %add3A_324 : i32 to vector<16xi32>
    %add3A_326 = arith.addi %add3A_313, %add3A_325 : vector<16xi32>
    tpu.vector_store_idx %arg7[%add3A_323], %gather3A_317 : memref<320xi32, #tpu.memory_space<vmem>>[vector<16xi32>], vector<16xi32>,
    tpu.vector_store_idx %arg8[%add3A_323], %add3A_326 : memref<320xi32, #tpu.memory_space<vmem>>[vector<16xi32>], vector<16xi32>,
    %add3A_327 = arith.constant 1 : i32
    %add3A_328 = vector.broadcast %add3A_327 : i32 to vector<16xi32>
    %add3A_329 = arith.addi %add3A_326, %add3A_328 : vector<16xi32>
    tpu.vector_store_idx %arg9[%add3A_323], %add3A_329 : memref<320xi32, #tpu.memory_space<vmem>>[vector<16xi32>], vector<16xi32>,
    %mul3A_330 = arith.constant 5 : i32
    %mul3A_331 = vector.broadcast %mul3A_330 : i32 to vector<16xi32>
    %mul3A_332 = arith.muli %add3A_301, %mul3A_331 : vector<16xi32>
    %add3A_333 = arith.constant 1 : i32
    %add3A_334 = vector.broadcast %add3A_333 : i32 to vector<16xi32>
    %add3A_335 = arith.addi %mul3A_332, %add3A_334 : vector<16xi32>
    %add3A_336 = arith.constant 1 : i32
    %add3A_337 = vector.broadcast %add3A_336 : i32 to vector<16xi32>
    %add3A_338 = arith.addi %add3A_313, %add3A_337 : vector<16xi32>
    %add3A_339 = arith.constant 5 : i32
    %add3A_340 = vector.broadcast %add3A_339 : i32 to vector<16xi32>
    %add3A_341 = arith.addi %mul3A_304, %add3A_340 : vector<16xi32>
    %gather3A_342 = tpu.vector_load_idx %arg5[%add3A_301, %add3A_341] : memref<64x11xi32, #tpu.memory_space<vmem>>[vector<16xi32>, vector<16xi32>], vector<16xi32>,
    tpu.vector_store_idx %arg7[%add3A_335], %gather3A_342 : memref<320xi32, #tpu.memory_space<vmem>>[vector<16xi32>], vector<16xi32>,
    tpu.vector_store_idx %arg8[%add3A_335], %add3A_338 : memref<320xi32, #tpu.memory_space<vmem>>[vector<16xi32>], vector<16xi32>,
    %add3A_343 = arith.constant 1 : i32
    %add3A_344 = vector.broadcast %add3A_343 : i32 to vector<16xi32>
    %add3A_345 = arith.addi %add3A_338, %add3A_344 : vector<16xi32>
    tpu.vector_store_idx %arg9[%add3A_335], %add3A_345 : memref<320xi32, #tpu.memory_space<vmem>>[vector<16xi32>], vector<16xi32>,
    %mul3A_346 = arith.constant 5 : i32
    %mul3A_347 = vector.broadcast %mul3A_346 : i32 to vector<16xi32>
    %mul3A_348 = arith.muli %add3A_301, %mul3A_347 : vector<16xi32>
    %add3A_349 = arith.constant 2 : i32
    %add3A_350 = vector.broadcast %add3A_349 : i32 to vector<16xi32>
    %add3A_351 = arith.addi %mul3A_348, %add3A_350 : vector<16xi32>
    %add3A_352 = arith.constant 2 : i32
    %add3A_353 = vector.broadcast %add3A_352 : i32 to vector<16xi32>
    %add3A_354 = arith.addi %add3A_313, %add3A_353 : vector<16xi32>
    %add3A_355 = arith.constant 6 : i32
    %add3A_356 = vector.broadcast %add3A_355 : i32 to vector<16xi32>
    %add3A_357 = arith.addi %mul3A_304, %add3A_356 : vector<16xi32>
    %gather3A_358 = tpu.vector_load_idx %arg5[%add3A_301, %add3A_357] : memref<64x11xi32, #tpu.memory_space<vmem>>[vector<16xi32>, vector<16xi32>], vector<16xi32>,
    tpu.vector_store_idx %arg7[%add3A_351], %gather3A_358 : memref<320xi32, #tpu.memory_space<vmem>>[vector<16xi32>], vector<16xi32>,
    tpu.vector_store_idx %arg8[%add3A_351], %add3A_354 : memref<320xi32, #tpu.memory_space<vmem>>[vector<16xi32>], vector<16xi32>,
    %add3A_359 = arith.constant 1 : i32
    %add3A_360 = vector.broadcast %add3A_359 : i32 to vector<16xi32>
    %add3A_361 = arith.addi %add3A_354, %add3A_360 : vector<16xi32>
    tpu.vector_store_idx %arg9[%add3A_351], %add3A_361 : memref<320xi32, #tpu.memory_space<vmem>>[vector<16xi32>], vector<16xi32>,
    %mul3A_362 = arith.constant 5 : i32
    %mul3A_363 = vector.broadcast %mul3A_362 : i32 to vector<16xi32>
    %mul3A_364 = arith.muli %add3A_301, %mul3A_363 : vector<16xi32>
    %add3A_365 = arith.constant 3 : i32
    %add3A_366 = vector.broadcast %add3A_365 : i32 to vector<16xi32>
    %add3A_367 = arith.addi %mul3A_364, %add3A_366 : vector<16xi32>
    %add3A_368 = arith.constant 3 : i32
    %add3A_369 = vector.broadcast %add3A_368 : i32 to vector<16xi32>
    %add3A_370 = arith.addi %add3A_313, %add3A_369 : vector<16xi32>
    %add3A_371 = arith.constant 7 : i32
    %add3A_372 = vector.broadcast %add3A_371 : i32 to vector<16xi32>
    %add3A_373 = arith.addi %mul3A_304, %add3A_372 : vector<16xi32>
    %gather3A_374 = tpu.vector_load_idx %arg5[%add3A_301, %add3A_373] : memref<64x11xi32, #tpu.memory_space<vmem>>[vector<16xi32>, vector<16xi32>], vector<16xi32>,
    tpu.vector_store_idx %arg7[%add3A_367], %gather3A_374 : memref<320xi32, #tpu.memory_space<vmem>>[vector<16xi32>], vector<16xi32>,
    tpu.vector_store_idx %arg8[%add3A_367], %add3A_370 : memref<320xi32, #tpu.memory_space<vmem>>[vector<16xi32>], vector<16xi32>,
    %add3A_375 = arith.constant 1 : i32
    %add3A_376 = vector.broadcast %add3A_375 : i32 to vector<16xi32>
    %add3A_377 = arith.addi %add3A_370, %add3A_376 : vector<16xi32>
    tpu.vector_store_idx %arg9[%add3A_367], %add3A_377 : memref<320xi32, #tpu.memory_space<vmem>>[vector<16xi32>], vector<16xi32>,
    %mul3A_378 = arith.constant 5 : i32
    %mul3A_379 = vector.broadcast %mul3A_378 : i32 to vector<16xi32>
    %mul3A_380 = arith.muli %add3A_301, %mul3A_379 : vector<16xi32>
    %add3A_381 = arith.constant 4 : i32
    %add3A_382 = vector.broadcast %add3A_381 : i32 to vector<16xi32>
    %add3A_383 = arith.addi %mul3A_380, %add3A_382 : vector<16xi32>
    %add3A_384 = arith.constant 4 : i32
    %add3A_385 = vector.broadcast %add3A_384 : i32 to vector<16xi32>
    %add3A_386 = arith.addi %add3A_313, %add3A_385 : vector<16xi32>
    %add3A_387 = arith.constant 8 : i32
    %add3A_388 = vector.broadcast %add3A_387 : i32 to vector<16xi32>
    %add3A_389 = arith.addi %mul3A_304, %add3A_388 : vector<16xi32>
    %gather3A_390 = tpu.vector_load_idx %arg5[%add3A_301, %add3A_389] : memref<64x11xi32, #tpu.memory_space<vmem>>[vector<16xi32>, vector<16xi32>], vector<16xi32>,
    tpu.vector_store_idx %arg7[%add3A_383], %gather3A_390 : memref<320xi32, #tpu.memory_space<vmem>>[vector<16xi32>], vector<16xi32>,
    tpu.vector_store_idx %arg8[%add3A_383], %add3A_386 : memref<320xi32, #tpu.memory_space<vmem>>[vector<16xi32>], vector<16xi32>,
    %add3A_391 = arith.constant 1 : i32
    %add3A_392 = vector.broadcast %add3A_391 : i32 to vector<16xi32>
    %add3A_393 = arith.addi %add3A_386, %add3A_392 : vector<16xi32>
    tpu.vector_store_idx %arg9[%add3A_383], %add3A_393 : memref<320xi32, #tpu.memory_space<vmem>>[vector<16xi32>], vector<16xi32>,
    %add3A_394 = arith.constant 0 : i32
    %add3A_395 = arith.addi %add3A_394, %mul3A_2 : i32
    %dma_start3A_396 = tpu.memref_slice %arg4[%add3A_395] : memref<20480xi32, #tpu.memory_space<hbm>> -> memref<320xi32, #tpu.memory_space<hbm>>
    %dma_start3A_397 = tpu.memref_slice %arg4[%add3A_395] : memref<20480xi32, #tpu.memory_space<hbm>> -> memref<320xi32, #tpu.memory_space<hbm>>
    tpu.enqueue_dma source(%arg7 : memref<320xi32, #tpu.memory_space<vmem>>) target(%dma_start3A_397 : memref<320xi32, #tpu.memory_space<hbm>>) target_semaphore(%arg12 : memref<!tpu.dma_semaphore, #tpu.memory_space<semaphore_mem>>)
    %add3A_398 = arith.constant 5120 : i32
    %add3A_399 = arith.addi %add3A_398, %mul3A_2 : i32
    %dma_start3A_400 = tpu.memref_slice %arg4[%add3A_399] : memref<20480xi32, #tpu.memory_space<hbm>> -> memref<320xi32, #tpu.memory_space<hbm>>
    %dma_start3A_401 = tpu.memref_slice %arg4[%add3A_399] : memref<20480xi32, #tpu.memory_space<hbm>> -> memref<320xi32, #tpu.memory_space<hbm>>
    tpu.enqueue_dma source(%arg8 : memref<320xi32, #tpu.memory_space<vmem>>) target(%dma_start3A_401 : memref<320xi32, #tpu.memory_space<hbm>>) target_semaphore(%arg12 : memref<!tpu.dma_semaphore, #tpu.memory_space<semaphore_mem>>)
    %add3A_402 = arith.constant 10240 : i32
    %add3A_403 = arith.addi %add3A_402, %mul3A_2 : i32
    %dma_start3A_404 = tpu.memref_slice %arg4[%add3A_403] : memref<20480xi32, #tpu.memory_space<hbm>> -> memref<320xi32, #tpu.memory_space<hbm>>
    %dma_start3A_405 = tpu.memref_slice %arg4[%add3A_403] : memref<20480xi32, #tpu.memory_space<hbm>> -> memref<320xi32, #tpu.memory_space<hbm>>
    tpu.enqueue_dma source(%arg9 : memref<320xi32, #tpu.memory_space<vmem>>) target(%dma_start3A_405 : memref<320xi32, #tpu.memory_space<hbm>>) target_semaphore(%arg12 : memref<!tpu.dma_semaphore, #tpu.memory_space<semaphore_mem>>)
    %dma_wait3A_406 = arith.constant 0 : i32
    %dma_wait3A_407 = tpu.memref_slice %arg3[%mul3A_0, %dma_wait3A_406] : memref<1024x256xi32, #tpu.memory_space<hbm>> -> memref<64x256xi32, #tpu.memory_space<hbm>>
    %dma_wait3A_408 = arith.constant 0 : i32
    %dma_wait3A_409 = tpu.memref_slice %arg3[%mul3A_0, %dma_wait3A_408] : memref<1024x256xi32, #tpu.memory_space<hbm>> -> memref<64x256xi32, #tpu.memory_space<hbm>>
    tpu.wait_dma2 semaphore(%arg11 : memref<!tpu.dma_semaphore, #tpu.memory_space<semaphore_mem>>) src(%dma_wait3A_409 : memref<64x256xi32, #tpu.memory_space<hbm>>) dst(%arg6 : memref<64x256xi32, #tpu.memory_space<vmem>>)
    %iota3A_410 = tpu.iota {dimensions = array<i32: 0>} : vector<16xi32>
    %add3A_411 = arith.constant 0 : i32
    %add3A_412 = vector.broadcast %add3A_411 : i32 to vector<16xi32>
    %add3A_413 = arith.addi %iota3A_410, %add3A_412 : vector<16xi32>
    %add3A_414 = arith.constant 0 : i32
    %add3A_415 = vector.broadcast %add3A_414 : i32 to vector<16xi32>
    %add3A_416 = arith.addi %add3A_26, %add3A_415 : vector<16xi32>
    %jit3A = arith.constant 128 : i64
    %convert_element_type3A = arith.trunci %jit3A : i64 to i32
    %div3A = vector.broadcast %convert_element_type3A : i32 to vector<16xi32>
    %div3A_417 = arith.divsi %add3A_416, %div3A : vector<16xi32>
    %sign3A = arith.constant 0 : i32
    %sign3A_418 = vector.broadcast %sign3A : i32 to vector<16xi32>
    %sign3A_419 = arith.cmpi sgt, %add3A_416, %sign3A_418 : vector<16xi32>
    %sign3A_420 = arith.extui %sign3A_419 : vector<16xi1> to vector<16xi32>
    %sign3A_421 = arith.constant 0 : i32
    %sign3A_422 = vector.broadcast %sign3A_421 : i32 to vector<16xi32>
    %sign3A_423 = arith.cmpi slt, %add3A_416, %sign3A_422 : vector<16xi32>
    %sign3A_424 = arith.extui %sign3A_423 : vector<16xi1> to vector<16xi32>
    %sign3A_425 = arith.subi %sign3A_420, %sign3A_424 : vector<16xi32>
    %sign3A_426 = arith.constant 0 : i32
    %sign3A_427 = arith.cmpi sgt, %convert_element_type3A, %sign3A_426 : i32
    %sign3A_428 = arith.extui %sign3A_427 : i1 to i32
    %sign3A_429 = arith.constant 0 : i32
    %sign3A_430 = arith.cmpi slt, %convert_element_type3A, %sign3A_429 : i32
    %sign3A_431 = arith.extui %sign3A_430 : i1 to i32
    %sign3A_432 = arith.subi %sign3A_428, %sign3A_431 : i32
    %ne3A = vector.broadcast %sign3A_432 : i32 to vector<16xi32>
    %ne3A_433 = arith.cmpi ne, %sign3A_425, %ne3A : vector<16xi32>
    %rem3A = vector.broadcast %convert_element_type3A : i32 to vector<16xi32>
    %rem3A_434 = arith.remsi %add3A_416, %rem3A : vector<16xi32>
    %ne3A_435 = arith.constant 0 : i32
    %ne3A_436 = vector.broadcast %ne3A_435 : i32 to vector<16xi32>
    %ne3A_437 = arith.cmpi ne, %rem3A_434, %ne3A_436 : vector<16xi32>
    %and3A = arith.andi %ne3A_433, %ne3A_437 : vector<16xi1>
    %sub3A_438 = arith.constant 1 : i32
    %sub3A_439 = vector.broadcast %sub3A_438 : i32 to vector<16xi32>
    %sub3A_440 = arith.subi %div3A_417, %sub3A_439 : vector<16xi32>
    %select_n3A = arith.select %and3A, %sub3A_440, %div3A_417 : vector<16xi1>, vector<16xi32>
    %gather3A_441 = tpu.vector_load_idx %arg6[%add3A_413, %select_n3A] : memref<64x256xi32, #tpu.memory_space<vmem>>[vector<16xi32>, vector<16xi32>], vector<16xi32>,
    %mul3A_442 = arith.constant 5 : i32
    %mul3A_443 = vector.broadcast %mul3A_442 : i32 to vector<16xi32>
    %mul3A_444 = arith.muli %add3A_413, %mul3A_443 : vector<16xi32>
    %add3A_445 = arith.constant 0 : i32
    %add3A_446 = vector.broadcast %add3A_445 : i32 to vector<16xi32>
    %add3A_447 = arith.addi %mul3A_444, %add3A_446 : vector<16xi32>
    %mul3A_448 = arith.constant 128 : i32
    %mul3A_449 = vector.broadcast %mul3A_448 : i32 to vector<16xi32>
    %mul3A_450 = arith.muli %gather3A_441, %mul3A_449 : vector<16xi32>
    %jit3A_451 = arith.constant 128 : i64
    %convert_element_type3A_452 = arith.trunci %jit3A_451 : i64 to i32
    %eq3A = arith.constant 0 : i32
    %eq3A_453 = arith.cmpi eq, %convert_element_type3A_452, %eq3A : i32
    %jit3A_454 = arith.constant 1 : i32
    %select_n3A_455 = arith.select %eq3A_453, %jit3A_454, %convert_element_type3A_452 : i32
    %rem3A_456 = vector.broadcast %select_n3A_455 : i32 to vector<16xi32>
    %rem3A_457 = arith.remsi %add3A_416, %rem3A_456 : vector<16xi32>
    %ne3A_458 = arith.constant 0 : i32
    %ne3A_459 = vector.broadcast %ne3A_458 : i32 to vector<16xi32>
    %ne3A_460 = arith.cmpi ne, %rem3A_457, %ne3A_459 : vector<16xi32>
    %lt3A = arith.constant 0 : i32
    %lt3A_461 = vector.broadcast %lt3A : i32 to vector<16xi32>
    %lt3A_462 = arith.cmpi slt, %rem3A_457, %lt3A_461 : vector<16xi32>
    %lt3A_463 = arith.constant 0 : i32
    %lt3A_464 = arith.cmpi slt, %select_n3A_455, %lt3A_463 : i32
    %ne3A_465 = vector.broadcast %lt3A_464 : i1 to vector<16xi1>
    %ne3A_466 = vector.broadcast %ne3A_465 : vector<16xi1> to vector<16xi1>
    %ne3A_467 = arith.xori %lt3A_462, %ne3A_466 : vector<16xi1>
    %and3A_468 = arith.andi %ne3A_467, %ne3A_460 : vector<16xi1>
    %add3A_469 = vector.broadcast %select_n3A_455 : i32 to vector<16xi32>
    %add3A_470 = arith.addi %rem3A_457, %add3A_469 : vector<16xi32>
    %select_n3A_471 = arith.select %and3A_468, %add3A_470, %rem3A_457 : vector<16xi1>, vector<16xi32>
    %add3A_472 = arith.addi %mul3A_450, %select_n3A_471 : vector<16xi32>
    tpu.vector_store_idx %arg10[%add3A_447], %add3A_472 : memref<320xi32, #tpu.memory_space<vmem>>[vector<16xi32>], vector<16xi32>,
    %add3A_473 = arith.constant 1 : i32
    %add3A_474 = vector.broadcast %add3A_473 : i32 to vector<16xi32>
    %add3A_475 = arith.addi %add3A_26, %add3A_474 : vector<16xi32>
    %jit3A_476 = arith.constant 128 : i64
    %convert_element_type3A_477 = arith.trunci %jit3A_476 : i64 to i32
    %div3A_478 = vector.broadcast %convert_element_type3A_477 : i32 to vector<16xi32>
    %div3A_479 = arith.divsi %add3A_475, %div3A_478 : vector<16xi32>
    %sign3A_480 = arith.constant 0 : i32
    %sign3A_481 = vector.broadcast %sign3A_480 : i32 to vector<16xi32>
    %sign3A_482 = arith.cmpi sgt, %add3A_475, %sign3A_481 : vector<16xi32>
    %sign3A_483 = arith.extui %sign3A_482 : vector<16xi1> to vector<16xi32>
    %sign3A_484 = arith.constant 0 : i32
    %sign3A_485 = vector.broadcast %sign3A_484 : i32 to vector<16xi32>
    %sign3A_486 = arith.cmpi slt, %add3A_475, %sign3A_485 : vector<16xi32>
    %sign3A_487 = arith.extui %sign3A_486 : vector<16xi1> to vector<16xi32>
    %sign3A_488 = arith.subi %sign3A_483, %sign3A_487 : vector<16xi32>
    %sign3A_489 = arith.constant 0 : i32
    %sign3A_490 = arith.cmpi sgt, %convert_element_type3A_477, %sign3A_489 : i32
    %sign3A_491 = arith.extui %sign3A_490 : i1 to i32
    %sign3A_492 = arith.constant 0 : i32
    %sign3A_493 = arith.cmpi slt, %convert_element_type3A_477, %sign3A_492 : i32
    %sign3A_494 = arith.extui %sign3A_493 : i1 to i32
    %sign3A_495 = arith.subi %sign3A_491, %sign3A_494 : i32
    %ne3A_496 = vector.broadcast %sign3A_495 : i32 to vector<16xi32>
    %ne3A_497 = arith.cmpi ne, %sign3A_488, %ne3A_496 : vector<16xi32>
    %rem3A_498 = vector.broadcast %convert_element_type3A_477 : i32 to vector<16xi32>
    %rem3A_499 = arith.remsi %add3A_475, %rem3A_498 : vector<16xi32>
    %ne3A_500 = arith.constant 0 : i32
    %ne3A_501 = vector.broadcast %ne3A_500 : i32 to vector<16xi32>
    %ne3A_502 = arith.cmpi ne, %rem3A_499, %ne3A_501 : vector<16xi32>
    %and3A_503 = arith.andi %ne3A_497, %ne3A_502 : vector<16xi1>
    %sub3A_504 = arith.constant 1 : i32
    %sub3A_505 = vector.broadcast %sub3A_504 : i32 to vector<16xi32>
    %sub3A_506 = arith.subi %div3A_479, %sub3A_505 : vector<16xi32>
    %select_n3A_507 = arith.select %and3A_503, %sub3A_506, %div3A_479 : vector<16xi1>, vector<16xi32>
    %gather3A_508 = tpu.vector_load_idx %arg6[%add3A_413, %select_n3A_507] : memref<64x256xi32, #tpu.memory_space<vmem>>[vector<16xi32>, vector<16xi32>], vector<16xi32>,
    %mul3A_509 = arith.constant 5 : i32
    %mul3A_510 = vector.broadcast %mul3A_509 : i32 to vector<16xi32>
    %mul3A_511 = arith.muli %add3A_413, %mul3A_510 : vector<16xi32>
    %add3A_512 = arith.constant 1 : i32
    %add3A_513 = vector.broadcast %add3A_512 : i32 to vector<16xi32>
    %add3A_514 = arith.addi %mul3A_511, %add3A_513 : vector<16xi32>
    %mul3A_515 = arith.constant 128 : i32
    %mul3A_516 = vector.broadcast %mul3A_515 : i32 to vector<16xi32>
    %mul3A_517 = arith.muli %gather3A_508, %mul3A_516 : vector<16xi32>
    %jit3A_518 = arith.constant 128 : i64
    %convert_element_type3A_519 = arith.trunci %jit3A_518 : i64 to i32
    %eq3A_520 = arith.constant 0 : i32
    %eq3A_521 = arith.cmpi eq, %convert_element_type3A_519, %eq3A_520 : i32
    %jit3A_522 = arith.constant 1 : i32
    %select_n3A_523 = arith.select %eq3A_521, %jit3A_522, %convert_element_type3A_519 : i32
    %rem3A_524 = vector.broadcast %select_n3A_523 : i32 to vector<16xi32>
    %rem3A_525 = arith.remsi %add3A_475, %rem3A_524 : vector<16xi32>
    %ne3A_526 = arith.constant 0 : i32
    %ne3A_527 = vector.broadcast %ne3A_526 : i32 to vector<16xi32>
    %ne3A_528 = arith.cmpi ne, %rem3A_525, %ne3A_527 : vector<16xi32>
    %lt3A_529 = arith.constant 0 : i32
    %lt3A_530 = vector.broadcast %lt3A_529 : i32 to vector<16xi32>
    %lt3A_531 = arith.cmpi slt, %rem3A_525, %lt3A_530 : vector<16xi32>
    %lt3A_532 = arith.constant 0 : i32
    %lt3A_533 = arith.cmpi slt, %select_n3A_523, %lt3A_532 : i32
    %ne3A_534 = vector.broadcast %lt3A_533 : i1 to vector<16xi1>
    %ne3A_535 = vector.broadcast %ne3A_534 : vector<16xi1> to vector<16xi1>
    %ne3A_536 = arith.xori %lt3A_531, %ne3A_535 : vector<16xi1>
    %and3A_537 = arith.andi %ne3A_536, %ne3A_528 : vector<16xi1>
    %add3A_538 = vector.broadcast %select_n3A_523 : i32 to vector<16xi32>
    %add3A_539 = arith.addi %rem3A_525, %add3A_538 : vector<16xi32>
    %select_n3A_540 = arith.select %and3A_537, %add3A_539, %rem3A_525 : vector<16xi1>, vector<16xi32>
    %add3A_541 = arith.addi %mul3A_517, %select_n3A_540 : vector<16xi32>
    tpu.vector_store_idx %arg10[%add3A_514], %add3A_541 : memref<320xi32, #tpu.memory_space<vmem>>[vector<16xi32>], vector<16xi32>,
    %add3A_542 = arith.constant 2 : i32
    %add3A_543 = vector.broadcast %add3A_542 : i32 to vector<16xi32>
    %add3A_544 = arith.addi %add3A_26, %add3A_543 : vector<16xi32>
    %jit3A_545 = arith.constant 128 : i64
    %convert_element_type3A_546 = arith.trunci %jit3A_545 : i64 to i32
    %div3A_547 = vector.broadcast %convert_element_type3A_546 : i32 to vector<16xi32>
    %div3A_548 = arith.divsi %add3A_544, %div3A_547 : vector<16xi32>
    %sign3A_549 = arith.constant 0 : i32
    %sign3A_550 = vector.broadcast %sign3A_549 : i32 to vector<16xi32>
    %sign3A_551 = arith.cmpi sgt, %add3A_544, %sign3A_550 : vector<16xi32>
    %sign3A_552 = arith.extui %sign3A_551 : vector<16xi1> to vector<16xi32>
    %sign3A_553 = arith.constant 0 : i32
    %sign3A_554 = vector.broadcast %sign3A_553 : i32 to vector<16xi32>
    %sign3A_555 = arith.cmpi slt, %add3A_544, %sign3A_554 : vector<16xi32>
    %sign3A_556 = arith.extui %sign3A_555 : vector<16xi1> to vector<16xi32>
    %sign3A_557 = arith.subi %sign3A_552, %sign3A_556 : vector<16xi32>
    %sign3A_558 = arith.constant 0 : i32
    %sign3A_559 = arith.cmpi sgt, %convert_element_type3A_546, %sign3A_558 : i32
    %sign3A_560 = arith.extui %sign3A_559 : i1 to i32
    %sign3A_561 = arith.constant 0 : i32
    %sign3A_562 = arith.cmpi slt, %convert_element_type3A_546, %sign3A_561 : i32
    %sign3A_563 = arith.extui %sign3A_562 : i1 to i32
    %sign3A_564 = arith.subi %sign3A_560, %sign3A_563 : i32
    %ne3A_565 = vector.broadcast %sign3A_564 : i32 to vector<16xi32>
    %ne3A_566 = arith.cmpi ne, %sign3A_557, %ne3A_565 : vector<16xi32>
    %rem3A_567 = vector.broadcast %convert_element_type3A_546 : i32 to vector<16xi32>
    %rem3A_568 = arith.remsi %add3A_544, %rem3A_567 : vector<16xi32>
    %ne3A_569 = arith.constant 0 : i32
    %ne3A_570 = vector.broadcast %ne3A_569 : i32 to vector<16xi32>
    %ne3A_571 = arith.cmpi ne, %rem3A_568, %ne3A_570 : vector<16xi32>
    %and3A_572 = arith.andi %ne3A_566, %ne3A_571 : vector<16xi1>
    %sub3A_573 = arith.constant 1 : i32
    %sub3A_574 = vector.broadcast %sub3A_573 : i32 to vector<16xi32>
    %sub3A_575 = arith.subi %div3A_548, %sub3A_574 : vector<16xi32>
    %select_n3A_576 = arith.select %and3A_572, %sub3A_575, %div3A_548 : vector<16xi1>, vector<16xi32>
    %gather3A_577 = tpu.vector_load_idx %arg6[%add3A_413, %select_n3A_576] : memref<64x256xi32, #tpu.memory_space<vmem>>[vector<16xi32>, vector<16xi32>], vector<16xi32>,
    %mul3A_578 = arith.constant 5 : i32
    %mul3A_579 = vector.broadcast %mul3A_578 : i32 to vector<16xi32>
    %mul3A_580 = arith.muli %add3A_413, %mul3A_579 : vector<16xi32>
    %add3A_581 = arith.constant 2 : i32
    %add3A_582 = vector.broadcast %add3A_581 : i32 to vector<16xi32>
    %add3A_583 = arith.addi %mul3A_580, %add3A_582 : vector<16xi32>
    %mul3A_584 = arith.constant 128 : i32
    %mul3A_585 = vector.broadcast %mul3A_584 : i32 to vector<16xi32>
    %mul3A_586 = arith.muli %gather3A_577, %mul3A_585 : vector<16xi32>
    %jit3A_587 = arith.constant 128 : i64
    %convert_element_type3A_588 = arith.trunci %jit3A_587 : i64 to i32
    %eq3A_589 = arith.constant 0 : i32
    %eq3A_590 = arith.cmpi eq, %convert_element_type3A_588, %eq3A_589 : i32
    %jit3A_591 = arith.constant 1 : i32
    %select_n3A_592 = arith.select %eq3A_590, %jit3A_591, %convert_element_type3A_588 : i32
    %rem3A_593 = vector.broadcast %select_n3A_592 : i32 to vector<16xi32>
    %rem3A_594 = arith.remsi %add3A_544, %rem3A_593 : vector<16xi32>
    %ne3A_595 = arith.constant 0 : i32
    %ne3A_596 = vector.broadcast %ne3A_595 : i32 to vector<16xi32>
    %ne3A_597 = arith.cmpi ne, %rem3A_594, %ne3A_596 : vector<16xi32>
    %lt3A_598 = arith.constant 0 : i32
    %lt3A_599 = vector.broadcast %lt3A_598 : i32 to vector<16xi32>
    %lt3A_600 = arith.cmpi slt, %rem3A_594, %lt3A_599 : vector<16xi32>
    %lt3A_601 = arith.constant 0 : i32
    %lt3A_602 = arith.cmpi slt, %select_n3A_592, %lt3A_601 : i32
    %ne3A_603 = vector.broadcast %lt3A_602 : i1 to vector<16xi1>
    %ne3A_604 = vector.broadcast %ne3A_603 : vector<16xi1> to vector<16xi1>
    %ne3A_605 = arith.xori %lt3A_600, %ne3A_604 : vector<16xi1>
    %and3A_606 = arith.andi %ne3A_605, %ne3A_597 : vector<16xi1>
    %add3A_607 = vector.broadcast %select_n3A_592 : i32 to vector<16xi32>
    %add3A_608 = arith.addi %rem3A_594, %add3A_607 : vector<16xi32>
    %select_n3A_609 = arith.select %and3A_606, %add3A_608, %rem3A_594 : vector<16xi1>, vector<16xi32>
    %add3A_610 = arith.addi %mul3A_586, %select_n3A_609 : vector<16xi32>
    tpu.vector_store_idx %arg10[%add3A_583], %add3A_610 : memref<320xi32, #tpu.memory_space<vmem>>[vector<16xi32>], vector<16xi32>,
    %add3A_611 = arith.constant 3 : i32
    %add3A_612 = vector.broadcast %add3A_611 : i32 to vector<16xi32>
    %add3A_613 = arith.addi %add3A_26, %add3A_612 : vector<16xi32>
    %jit3A_614 = arith.constant 128 : i64
    %convert_element_type3A_615 = arith.trunci %jit3A_614 : i64 to i32
    %div3A_616 = vector.broadcast %convert_element_type3A_615 : i32 to vector<16xi32>
    %div3A_617 = arith.divsi %add3A_613, %div3A_616 : vector<16xi32>
    %sign3A_618 = arith.constant 0 : i32
    %sign3A_619 = vector.broadcast %sign3A_618 : i32 to vector<16xi32>
    %sign3A_620 = arith.cmpi sgt, %add3A_613, %sign3A_619 : vector<16xi32>
    %sign3A_621 = arith.extui %sign3A_620 : vector<16xi1> to vector<16xi32>
    %sign3A_622 = arith.constant 0 : i32
    %sign3A_623 = vector.broadcast %sign3A_622 : i32 to vector<16xi32>
    %sign3A_624 = arith.cmpi slt, %add3A_613, %sign3A_623 : vector<16xi32>
    %sign3A_625 = arith.extui %sign3A_624 : vector<16xi1> to vector<16xi32>
    %sign3A_626 = arith.subi %sign3A_621, %sign3A_625 : vector<16xi32>
    %sign3A_627 = arith.constant 0 : i32
    %sign3A_628 = arith.cmpi sgt, %convert_element_type3A_615, %sign3A_627 : i32
    %sign3A_629 = arith.extui %sign3A_628 : i1 to i32
    %sign3A_630 = arith.constant 0 : i32
    %sign3A_631 = arith.cmpi slt, %convert_element_type3A_615, %sign3A_630 : i32
    %sign3A_632 = arith.extui %sign3A_631 : i1 to i32
    %sign3A_633 = arith.subi %sign3A_629, %sign3A_632 : i32
    %ne3A_634 = vector.broadcast %sign3A_633 : i32 to vector<16xi32>
    %ne3A_635 = arith.cmpi ne, %sign3A_626, %ne3A_634 : vector<16xi32>
    %rem3A_636 = vector.broadcast %convert_element_type3A_615 : i32 to vector<16xi32>
    %rem3A_637 = arith.remsi %add3A_613, %rem3A_636 : vector<16xi32>
    %ne3A_638 = arith.constant 0 : i32
    %ne3A_639 = vector.broadcast %ne3A_638 : i32 to vector<16xi32>
    %ne3A_640 = arith.cmpi ne, %rem3A_637, %ne3A_639 : vector<16xi32>
    %and3A_641 = arith.andi %ne3A_635, %ne3A_640 : vector<16xi1>
    %sub3A_642 = arith.constant 1 : i32
    %sub3A_643 = vector.broadcast %sub3A_642 : i32 to vector<16xi32>
    %sub3A_644 = arith.subi %div3A_617, %sub3A_643 : vector<16xi32>
    %select_n3A_645 = arith.select %and3A_641, %sub3A_644, %div3A_617 : vector<16xi1>, vector<16xi32>
    %gather3A_646 = tpu.vector_load_idx %arg6[%add3A_413, %select_n3A_645] : memref<64x256xi32, #tpu.memory_space<vmem>>[vector<16xi32>, vector<16xi32>], vector<16xi32>,
    %mul3A_647 = arith.constant 5 : i32
    %mul3A_648 = vector.broadcast %mul3A_647 : i32 to vector<16xi32>
    %mul3A_649 = arith.muli %add3A_413, %mul3A_648 : vector<16xi32>
    %add3A_650 = arith.constant 3 : i32
    %add3A_651 = vector.broadcast %add3A_650 : i32 to vector<16xi32>
    %add3A_652 = arith.addi %mul3A_649, %add3A_651 : vector<16xi32>
    %mul3A_653 = arith.constant 128 : i32
    %mul3A_654 = vector.broadcast %mul3A_653 : i32 to vector<16xi32>
    %mul3A_655 = arith.muli %gather3A_646, %mul3A_654 : vector<16xi32>
    %jit3A_656 = arith.constant 128 : i64
    %convert_element_type3A_657 = arith.trunci %jit3A_656 : i64 to i32
    %eq3A_658 = arith.constant 0 : i32
    %eq3A_659 = arith.cmpi eq, %convert_element_type3A_657, %eq3A_658 : i32
    %jit3A_660 = arith.constant 1 : i32
    %select_n3A_661 = arith.select %eq3A_659, %jit3A_660, %convert_element_type3A_657 : i32
    %rem3A_662 = vector.broadcast %select_n3A_661 : i32 to vector<16xi32>
    %rem3A_663 = arith.remsi %add3A_613, %rem3A_662 : vector<16xi32>
    %ne3A_664 = arith.constant 0 : i32
    %ne3A_665 = vector.broadcast %ne3A_664 : i32 to vector<16xi32>
    %ne3A_666 = arith.cmpi ne, %rem3A_663, %ne3A_665 : vector<16xi32>
    %lt3A_667 = arith.constant 0 : i32
    %lt3A_668 = vector.broadcast %lt3A_667 : i32 to vector<16xi32>
    %lt3A_669 = arith.cmpi slt, %rem3A_663, %lt3A_668 : vector<16xi32>
    %lt3A_670 = arith.constant 0 : i32
    %lt3A_671 = arith.cmpi slt, %select_n3A_661, %lt3A_670 : i32
    %ne3A_672 = vector.broadcast %lt3A_671 : i1 to vector<16xi1>
    %ne3A_673 = vector.broadcast %ne3A_672 : vector<16xi1> to vector<16xi1>
    %ne3A_674 = arith.xori %lt3A_669, %ne3A_673 : vector<16xi1>
    %and3A_675 = arith.andi %ne3A_674, %ne3A_666 : vector<16xi1>
    %add3A_676 = vector.broadcast %select_n3A_661 : i32 to vector<16xi32>
    %add3A_677 = arith.addi %rem3A_663, %add3A_676 : vector<16xi32>
    %select_n3A_678 = arith.select %and3A_675, %add3A_677, %rem3A_663 : vector<16xi1>, vector<16xi32>
    %add3A_679 = arith.addi %mul3A_655, %select_n3A_678 : vector<16xi32>
    tpu.vector_store_idx %arg10[%add3A_652], %add3A_679 : memref<320xi32, #tpu.memory_space<vmem>>[vector<16xi32>], vector<16xi32>,
    %add3A_680 = arith.constant 4 : i32
    %add3A_681 = vector.broadcast %add3A_680 : i32 to vector<16xi32>
    %add3A_682 = arith.addi %add3A_26, %add3A_681 : vector<16xi32>
    %jit3A_683 = arith.constant 128 : i64
    %convert_element_type3A_684 = arith.trunci %jit3A_683 : i64 to i32
    %div3A_685 = vector.broadcast %convert_element_type3A_684 : i32 to vector<16xi32>
    %div3A_686 = arith.divsi %add3A_682, %div3A_685 : vector<16xi32>
    %sign3A_687 = arith.constant 0 : i32
    %sign3A_688 = vector.broadcast %sign3A_687 : i32 to vector<16xi32>
    %sign3A_689 = arith.cmpi sgt, %add3A_682, %sign3A_688 : vector<16xi32>
    %sign3A_690 = arith.extui %sign3A_689 : vector<16xi1> to vector<16xi32>
    %sign3A_691 = arith.constant 0 : i32
    %sign3A_692 = vector.broadcast %sign3A_691 : i32 to vector<16xi32>
    %sign3A_693 = arith.cmpi slt, %add3A_682, %sign3A_692 : vector<16xi32>
    %sign3A_694 = arith.extui %sign3A_693 : vector<16xi1> to vector<16xi32>
    %sign3A_695 = arith.subi %sign3A_690, %sign3A_694 : vector<16xi32>
    %sign3A_696 = arith.constant 0 : i32
    %sign3A_697 = arith.cmpi sgt, %convert_element_type3A_684, %sign3A_696 : i32
    %sign3A_698 = arith.extui %sign3A_697 : i1 to i32
    %sign3A_699 = arith.constant 0 : i32
    %sign3A_700 = arith.cmpi slt, %convert_element_type3A_684, %sign3A_699 : i32
    %sign3A_701 = arith.extui %sign3A_700 : i1 to i32
    %sign3A_702 = arith.subi %sign3A_698, %sign3A_701 : i32
    %ne3A_703 = vector.broadcast %sign3A_702 : i32 to vector<16xi32>
    %ne3A_704 = arith.cmpi ne, %sign3A_695, %ne3A_703 : vector<16xi32>
    %rem3A_705 = vector.broadcast %convert_element_type3A_684 : i32 to vector<16xi32>
    %rem3A_706 = arith.remsi %add3A_682, %rem3A_705 : vector<16xi32>
    %ne3A_707 = arith.constant 0 : i32
    %ne3A_708 = vector.broadcast %ne3A_707 : i32 to vector<16xi32>
    %ne3A_709 = arith.cmpi ne, %rem3A_706, %ne3A_708 : vector<16xi32>
    %and3A_710 = arith.andi %ne3A_704, %ne3A_709 : vector<16xi1>
    %sub3A_711 = arith.constant 1 : i32
    %sub3A_712 = vector.broadcast %sub3A_711 : i32 to vector<16xi32>
    %sub3A_713 = arith.subi %div3A_686, %sub3A_712 : vector<16xi32>
    %select_n3A_714 = arith.select %and3A_710, %sub3A_713, %div3A_686 : vector<16xi1>, vector<16xi32>
    %gather3A_715 = tpu.vector_load_idx %arg6[%add3A_413, %select_n3A_714] : memref<64x256xi32, #tpu.memory_space<vmem>>[vector<16xi32>, vector<16xi32>], vector<16xi32>,
    %mul3A_716 = arith.constant 5 : i32
    %mul3A_717 = vector.broadcast %mul3A_716 : i32 to vector<16xi32>
    %mul3A_718 = arith.muli %add3A_413, %mul3A_717 : vector<16xi32>
    %add3A_719 = arith.constant 4 : i32
    %add3A_720 = vector.broadcast %add3A_719 : i32 to vector<16xi32>
    %add3A_721 = arith.addi %mul3A_718, %add3A_720 : vector<16xi32>
    %mul3A_722 = arith.constant 128 : i32
    %mul3A_723 = vector.broadcast %mul3A_722 : i32 to vector<16xi32>
    %mul3A_724 = arith.muli %gather3A_715, %mul3A_723 : vector<16xi32>
    %jit3A_725 = arith.constant 128 : i64
    %convert_element_type3A_726 = arith.trunci %jit3A_725 : i64 to i32
    %eq3A_727 = arith.constant 0 : i32
    %eq3A_728 = arith.cmpi eq, %convert_element_type3A_726, %eq3A_727 : i32
    %jit3A_729 = arith.constant 1 : i32
    %select_n3A_730 = arith.select %eq3A_728, %jit3A_729, %convert_element_type3A_726 : i32
    %rem3A_731 = vector.broadcast %select_n3A_730 : i32 to vector<16xi32>
    %rem3A_732 = arith.remsi %add3A_682, %rem3A_731 : vector<16xi32>
    %ne3A_733 = arith.constant 0 : i32
    %ne3A_734 = vector.broadcast %ne3A_733 : i32 to vector<16xi32>
    %ne3A_735 = arith.cmpi ne, %rem3A_732, %ne3A_734 : vector<16xi32>
    %lt3A_736 = arith.constant 0 : i32
    %lt3A_737 = vector.broadcast %lt3A_736 : i32 to vector<16xi32>
    %lt3A_738 = arith.cmpi slt, %rem3A_732, %lt3A_737 : vector<16xi32>
    %lt3A_739 = arith.constant 0 : i32
    %lt3A_740 = arith.cmpi slt, %select_n3A_730, %lt3A_739 : i32
    %ne3A_741 = vector.broadcast %lt3A_740 : i1 to vector<16xi1>
    %ne3A_742 = vector.broadcast %ne3A_741 : vector<16xi1> to vector<16xi1>
    %ne3A_743 = arith.xori %lt3A_738, %ne3A_742 : vector<16xi1>
    %and3A_744 = arith.andi %ne3A_743, %ne3A_735 : vector<16xi1>
    %add3A_745 = vector.broadcast %select_n3A_730 : i32 to vector<16xi32>
    %add3A_746 = arith.addi %rem3A_732, %add3A_745 : vector<16xi32>
    %select_n3A_747 = arith.select %and3A_744, %add3A_746, %rem3A_732 : vector<16xi1>, vector<16xi32>
    %add3A_748 = arith.addi %mul3A_724, %select_n3A_747 : vector<16xi32>
    tpu.vector_store_idx %arg10[%add3A_721], %add3A_748 : memref<320xi32, #tpu.memory_space<vmem>>[vector<16xi32>], vector<16xi32>,
    %iota3A_749 = tpu.iota {dimensions = array<i32: 0>} : vector<16xi32>
    %add3A_750 = arith.constant 16 : i32
    %add3A_751 = vector.broadcast %add3A_750 : i32 to vector<16xi32>
    %add3A_752 = arith.addi %iota3A_749, %add3A_751 : vector<16xi32>
    %add3A_753 = arith.constant 0 : i32
    %add3A_754 = vector.broadcast %add3A_753 : i32 to vector<16xi32>
    %add3A_755 = arith.addi %add3A_121, %add3A_754 : vector<16xi32>
    %jit3A_756 = arith.constant 128 : i64
    %convert_element_type3A_757 = arith.trunci %jit3A_756 : i64 to i32
    %div3A_758 = vector.broadcast %convert_element_type3A_757 : i32 to vector<16xi32>
    %div3A_759 = arith.divsi %add3A_755, %div3A_758 : vector<16xi32>
    %sign3A_760 = arith.constant 0 : i32
    %sign3A_761 = vector.broadcast %sign3A_760 : i32 to vector<16xi32>
    %sign3A_762 = arith.cmpi sgt, %add3A_755, %sign3A_761 : vector<16xi32>
    %sign3A_763 = arith.extui %sign3A_762 : vector<16xi1> to vector<16xi32>
    %sign3A_764 = arith.constant 0 : i32
    %sign3A_765 = vector.broadcast %sign3A_764 : i32 to vector<16xi32>
    %sign3A_766 = arith.cmpi slt, %add3A_755, %sign3A_765 : vector<16xi32>
    %sign3A_767 = arith.extui %sign3A_766 : vector<16xi1> to vector<16xi32>
    %sign3A_768 = arith.subi %sign3A_763, %sign3A_767 : vector<16xi32>
    %sign3A_769 = arith.constant 0 : i32
    %sign3A_770 = arith.cmpi sgt, %convert_element_type3A_757, %sign3A_769 : i32
    %sign3A_771 = arith.extui %sign3A_770 : i1 to i32
    %sign3A_772 = arith.constant 0 : i32
    %sign3A_773 = arith.cmpi slt, %convert_element_type3A_757, %sign3A_772 : i32
    %sign3A_774 = arith.extui %sign3A_773 : i1 to i32
    %sign3A_775 = arith.subi %sign3A_771, %sign3A_774 : i32
    %ne3A_776 = vector.broadcast %sign3A_775 : i32 to vector<16xi32>
    %ne3A_777 = arith.cmpi ne, %sign3A_768, %ne3A_776 : vector<16xi32>
    %rem3A_778 = vector.broadcast %convert_element_type3A_757 : i32 to vector<16xi32>
    %rem3A_779 = arith.remsi %add3A_755, %rem3A_778 : vector<16xi32>
    %ne3A_780 = arith.constant 0 : i32
    %ne3A_781 = vector.broadcast %ne3A_780 : i32 to vector<16xi32>
    %ne3A_782 = arith.cmpi ne, %rem3A_779, %ne3A_781 : vector<16xi32>
    %and3A_783 = arith.andi %ne3A_777, %ne3A_782 : vector<16xi1>
    %sub3A_784 = arith.constant 1 : i32
    %sub3A_785 = vector.broadcast %sub3A_784 : i32 to vector<16xi32>
    %sub3A_786 = arith.subi %div3A_759, %sub3A_785 : vector<16xi32>
    %select_n3A_787 = arith.select %and3A_783, %sub3A_786, %div3A_759 : vector<16xi1>, vector<16xi32>
    %gather3A_788 = tpu.vector_load_idx %arg6[%add3A_752, %select_n3A_787] : memref<64x256xi32, #tpu.memory_space<vmem>>[vector<16xi32>, vector<16xi32>], vector<16xi32>,
    %mul3A_789 = arith.constant 5 : i32
    %mul3A_790 = vector.broadcast %mul3A_789 : i32 to vector<16xi32>
    %mul3A_791 = arith.muli %add3A_752, %mul3A_790 : vector<16xi32>
    %add3A_792 = arith.constant 0 : i32
    %add3A_793 = vector.broadcast %add3A_792 : i32 to vector<16xi32>
    %add3A_794 = arith.addi %mul3A_791, %add3A_793 : vector<16xi32>
    %mul3A_795 = arith.constant 128 : i32
    %mul3A_796 = vector.broadcast %mul3A_795 : i32 to vector<16xi32>
    %mul3A_797 = arith.muli %gather3A_788, %mul3A_796 : vector<16xi32>
    %jit3A_798 = arith.constant 128 : i64
    %convert_element_type3A_799 = arith.trunci %jit3A_798 : i64 to i32
    %eq3A_800 = arith.constant 0 : i32
    %eq3A_801 = arith.cmpi eq, %convert_element_type3A_799, %eq3A_800 : i32
    %jit3A_802 = arith.constant 1 : i32
    %select_n3A_803 = arith.select %eq3A_801, %jit3A_802, %convert_element_type3A_799 : i32
    %rem3A_804 = vector.broadcast %select_n3A_803 : i32 to vector<16xi32>
    %rem3A_805 = arith.remsi %add3A_755, %rem3A_804 : vector<16xi32>
    %ne3A_806 = arith.constant 0 : i32
    %ne3A_807 = vector.broadcast %ne3A_806 : i32 to vector<16xi32>
    %ne3A_808 = arith.cmpi ne, %rem3A_805, %ne3A_807 : vector<16xi32>
    %lt3A_809 = arith.constant 0 : i32
    %lt3A_810 = vector.broadcast %lt3A_809 : i32 to vector<16xi32>
    %lt3A_811 = arith.cmpi slt, %rem3A_805, %lt3A_810 : vector<16xi32>
    %lt3A_812 = arith.constant 0 : i32
    %lt3A_813 = arith.cmpi slt, %select_n3A_803, %lt3A_812 : i32
    %ne3A_814 = vector.broadcast %lt3A_813 : i1 to vector<16xi1>
    %ne3A_815 = vector.broadcast %ne3A_814 : vector<16xi1> to vector<16xi1>
    %ne3A_816 = arith.xori %lt3A_811, %ne3A_815 : vector<16xi1>
    %and3A_817 = arith.andi %ne3A_816, %ne3A_808 : vector<16xi1>
    %add3A_818 = vector.broadcast %select_n3A_803 : i32 to vector<16xi32>
    %add3A_819 = arith.addi %rem3A_805, %add3A_818 : vector<16xi32>
    %select_n3A_820 = arith.select %and3A_817, %add3A_819, %rem3A_805 : vector<16xi1>, vector<16xi32>
    %add3A_821 = arith.addi %mul3A_797, %select_n3A_820 : vector<16xi32>
    tpu.vector_store_idx %arg10[%add3A_794], %add3A_821 : memref<320xi32, #tpu.memory_space<vmem>>[vector<16xi32>], vector<16xi32>,
    %add3A_822 = arith.constant 1 : i32
    %add3A_823 = vector.broadcast %add3A_822 : i32 to vector<16xi32>
    %add3A_824 = arith.addi %add3A_121, %add3A_823 : vector<16xi32>
    %jit3A_825 = arith.constant 128 : i64
    %convert_element_type3A_826 = arith.trunci %jit3A_825 : i64 to i32
    %div3A_827 = vector.broadcast %convert_element_type3A_826 : i32 to vector<16xi32>
    %div3A_828 = arith.divsi %add3A_824, %div3A_827 : vector<16xi32>
    %sign3A_829 = arith.constant 0 : i32
    %sign3A_830 = vector.broadcast %sign3A_829 : i32 to vector<16xi32>
    %sign3A_831 = arith.cmpi sgt, %add3A_824, %sign3A_830 : vector<16xi32>
    %sign3A_832 = arith.extui %sign3A_831 : vector<16xi1> to vector<16xi32>
    %sign3A_833 = arith.constant 0 : i32
    %sign3A_834 = vector.broadcast %sign3A_833 : i32 to vector<16xi32>
    %sign3A_835 = arith.cmpi slt, %add3A_824, %sign3A_834 : vector<16xi32>
    %sign3A_836 = arith.extui %sign3A_835 : vector<16xi1> to vector<16xi32>
    %sign3A_837 = arith.subi %sign3A_832, %sign3A_836 : vector<16xi32>
    %sign3A_838 = arith.constant 0 : i32
    %sign3A_839 = arith.cmpi sgt, %convert_element_type3A_826, %sign3A_838 : i32
    %sign3A_840 = arith.extui %sign3A_839 : i1 to i32
    %sign3A_841 = arith.constant 0 : i32
    %sign3A_842 = arith.cmpi slt, %convert_element_type3A_826, %sign3A_841 : i32
    %sign3A_843 = arith.extui %sign3A_842 : i1 to i32
    %sign3A_844 = arith.subi %sign3A_840, %sign3A_843 : i32
    %ne3A_845 = vector.broadcast %sign3A_844 : i32 to vector<16xi32>
    %ne3A_846 = arith.cmpi ne, %sign3A_837, %ne3A_845 : vector<16xi32>
    %rem3A_847 = vector.broadcast %convert_element_type3A_826 : i32 to vector<16xi32>
    %rem3A_848 = arith.remsi %add3A_824, %rem3A_847 : vector<16xi32>
    %ne3A_849 = arith.constant 0 : i32
    %ne3A_850 = vector.broadcast %ne3A_849 : i32 to vector<16xi32>
    %ne3A_851 = arith.cmpi ne, %rem3A_848, %ne3A_850 : vector<16xi32>
    %and3A_852 = arith.andi %ne3A_846, %ne3A_851 : vector<16xi1>
    %sub3A_853 = arith.constant 1 : i32
    %sub3A_854 = vector.broadcast %sub3A_853 : i32 to vector<16xi32>
    %sub3A_855 = arith.subi %div3A_828, %sub3A_854 : vector<16xi32>
    %select_n3A_856 = arith.select %and3A_852, %sub3A_855, %div3A_828 : vector<16xi1>, vector<16xi32>
    %gather3A_857 = tpu.vector_load_idx %arg6[%add3A_752, %select_n3A_856] : memref<64x256xi32, #tpu.memory_space<vmem>>[vector<16xi32>, vector<16xi32>], vector<16xi32>,
    %mul3A_858 = arith.constant 5 : i32
    %mul3A_859 = vector.broadcast %mul3A_858 : i32 to vector<16xi32>
    %mul3A_860 = arith.muli %add3A_752, %mul3A_859 : vector<16xi32>
    %add3A_861 = arith.constant 1 : i32
    %add3A_862 = vector.broadcast %add3A_861 : i32 to vector<16xi32>
    %add3A_863 = arith.addi %mul3A_860, %add3A_862 : vector<16xi32>
    %mul3A_864 = arith.constant 128 : i32
    %mul3A_865 = vector.broadcast %mul3A_864 : i32 to vector<16xi32>
    %mul3A_866 = arith.muli %gather3A_857, %mul3A_865 : vector<16xi32>
    %jit3A_867 = arith.constant 128 : i64
    %convert_element_type3A_868 = arith.trunci %jit3A_867 : i64 to i32
    %eq3A_869 = arith.constant 0 : i32
    %eq3A_870 = arith.cmpi eq, %convert_element_type3A_868, %eq3A_869 : i32
    %jit3A_871 = arith.constant 1 : i32
    %select_n3A_872 = arith.select %eq3A_870, %jit3A_871, %convert_element_type3A_868 : i32
    %rem3A_873 = vector.broadcast %select_n3A_872 : i32 to vector<16xi32>
    %rem3A_874 = arith.remsi %add3A_824, %rem3A_873 : vector<16xi32>
    %ne3A_875 = arith.constant 0 : i32
    %ne3A_876 = vector.broadcast %ne3A_875 : i32 to vector<16xi32>
    %ne3A_877 = arith.cmpi ne, %rem3A_874, %ne3A_876 : vector<16xi32>
    %lt3A_878 = arith.constant 0 : i32
    %lt3A_879 = vector.broadcast %lt3A_878 : i32 to vector<16xi32>
    %lt3A_880 = arith.cmpi slt, %rem3A_874, %lt3A_879 : vector<16xi32>
    %lt3A_881 = arith.constant 0 : i32
    %lt3A_882 = arith.cmpi slt, %select_n3A_872, %lt3A_881 : i32
    %ne3A_883 = vector.broadcast %lt3A_882 : i1 to vector<16xi1>
    %ne3A_884 = vector.broadcast %ne3A_883 : vector<16xi1> to vector<16xi1>
    %ne3A_885 = arith.xori %lt3A_880, %ne3A_884 : vector<16xi1>
    %and3A_886 = arith.andi %ne3A_885, %ne3A_877 : vector<16xi1>
    %add3A_887 = vector.broadcast %select_n3A_872 : i32 to vector<16xi32>
    %add3A_888 = arith.addi %rem3A_874, %add3A_887 : vector<16xi32>
    %select_n3A_889 = arith.select %and3A_886, %add3A_888, %rem3A_874 : vector<16xi1>, vector<16xi32>
    %add3A_890 = arith.addi %mul3A_866, %select_n3A_889 : vector<16xi32>
    tpu.vector_store_idx %arg10[%add3A_863], %add3A_890 : memref<320xi32, #tpu.memory_space<vmem>>[vector<16xi32>], vector<16xi32>,
    %add3A_891 = arith.constant 2 : i32
    %add3A_892 = vector.broadcast %add3A_891 : i32 to vector<16xi32>
    %add3A_893 = arith.addi %add3A_121, %add3A_892 : vector<16xi32>
    %jit3A_894 = arith.constant 128 : i64
    %convert_element_type3A_895 = arith.trunci %jit3A_894 : i64 to i32
    %div3A_896 = vector.broadcast %convert_element_type3A_895 : i32 to vector<16xi32>
    %div3A_897 = arith.divsi %add3A_893, %div3A_896 : vector<16xi32>
    %sign3A_898 = arith.constant 0 : i32
    %sign3A_899 = vector.broadcast %sign3A_898 : i32 to vector<16xi32>
    %sign3A_900 = arith.cmpi sgt, %add3A_893, %sign3A_899 : vector<16xi32>
    %sign3A_901 = arith.extui %sign3A_900 : vector<16xi1> to vector<16xi32>
    %sign3A_902 = arith.constant 0 : i32
    %sign3A_903 = vector.broadcast %sign3A_902 : i32 to vector<16xi32>
    %sign3A_904 = arith.cmpi slt, %add3A_893, %sign3A_903 : vector<16xi32>
    %sign3A_905 = arith.extui %sign3A_904 : vector<16xi1> to vector<16xi32>
    %sign3A_906 = arith.subi %sign3A_901, %sign3A_905 : vector<16xi32>
    %sign3A_907 = arith.constant 0 : i32
    %sign3A_908 = arith.cmpi sgt, %convert_element_type3A_895, %sign3A_907 : i32
    %sign3A_909 = arith.extui %sign3A_908 : i1 to i32
    %sign3A_910 = arith.constant 0 : i32
    %sign3A_911 = arith.cmpi slt, %convert_element_type3A_895, %sign3A_910 : i32
    %sign3A_912 = arith.extui %sign3A_911 : i1 to i32
    %sign3A_913 = arith.subi %sign3A_909, %sign3A_912 : i32
    %ne3A_914 = vector.broadcast %sign3A_913 : i32 to vector<16xi32>
    %ne3A_915 = arith.cmpi ne, %sign3A_906, %ne3A_914 : vector<16xi32>
    %rem3A_916 = vector.broadcast %convert_element_type3A_895 : i32 to vector<16xi32>
    %rem3A_917 = arith.remsi %add3A_893, %rem3A_916 : vector<16xi32>
    %ne3A_918 = arith.constant 0 : i32
    %ne3A_919 = vector.broadcast %ne3A_918 : i32 to vector<16xi32>
    %ne3A_920 = arith.cmpi ne, %rem3A_917, %ne3A_919 : vector<16xi32>
    %and3A_921 = arith.andi %ne3A_915, %ne3A_920 : vector<16xi1>
    %sub3A_922 = arith.constant 1 : i32
    %sub3A_923 = vector.broadcast %sub3A_922 : i32 to vector<16xi32>
    %sub3A_924 = arith.subi %div3A_897, %sub3A_923 : vector<16xi32>
    %select_n3A_925 = arith.select %and3A_921, %sub3A_924, %div3A_897 : vector<16xi1>, vector<16xi32>
    %gather3A_926 = tpu.vector_load_idx %arg6[%add3A_752, %select_n3A_925] : memref<64x256xi32, #tpu.memory_space<vmem>>[vector<16xi32>, vector<16xi32>], vector<16xi32>,
    %mul3A_927 = arith.constant 5 : i32
    %mul3A_928 = vector.broadcast %mul3A_927 : i32 to vector<16xi32>
    %mul3A_929 = arith.muli %add3A_752, %mul3A_928 : vector<16xi32>
    %add3A_930 = arith.constant 2 : i32
    %add3A_931 = vector.broadcast %add3A_930 : i32 to vector<16xi32>
    %add3A_932 = arith.addi %mul3A_929, %add3A_931 : vector<16xi32>
    %mul3A_933 = arith.constant 128 : i32
    %mul3A_934 = vector.broadcast %mul3A_933 : i32 to vector<16xi32>
    %mul3A_935 = arith.muli %gather3A_926, %mul3A_934 : vector<16xi32>
    %jit3A_936 = arith.constant 128 : i64
    %convert_element_type3A_937 = arith.trunci %jit3A_936 : i64 to i32
    %eq3A_938 = arith.constant 0 : i32
    %eq3A_939 = arith.cmpi eq, %convert_element_type3A_937, %eq3A_938 : i32
    %jit3A_940 = arith.constant 1 : i32
    %select_n3A_941 = arith.select %eq3A_939, %jit3A_940, %convert_element_type3A_937 : i32
    %rem3A_942 = vector.broadcast %select_n3A_941 : i32 to vector<16xi32>
    %rem3A_943 = arith.remsi %add3A_893, %rem3A_942 : vector<16xi32>
    %ne3A_944 = arith.constant 0 : i32
    %ne3A_945 = vector.broadcast %ne3A_944 : i32 to vector<16xi32>
    %ne3A_946 = arith.cmpi ne, %rem3A_943, %ne3A_945 : vector<16xi32>
    %lt3A_947 = arith.constant 0 : i32
    %lt3A_948 = vector.broadcast %lt3A_947 : i32 to vector<16xi32>
    %lt3A_949 = arith.cmpi slt, %rem3A_943, %lt3A_948 : vector<16xi32>
    %lt3A_950 = arith.constant 0 : i32
    %lt3A_951 = arith.cmpi slt, %select_n3A_941, %lt3A_950 : i32
    %ne3A_952 = vector.broadcast %lt3A_951 : i1 to vector<16xi1>
    %ne3A_953 = vector.broadcast %ne3A_952 : vector<16xi1> to vector<16xi1>
    %ne3A_954 = arith.xori %lt3A_949, %ne3A_953 : vector<16xi1>
    %and3A_955 = arith.andi %ne3A_954, %ne3A_946 : vector<16xi1>
    %add3A_956 = vector.broadcast %select_n3A_941 : i32 to vector<16xi32>
    %add3A_957 = arith.addi %rem3A_943, %add3A_956 : vector<16xi32>
    %select_n3A_958 = arith.select %and3A_955, %add3A_957, %rem3A_943 : vector<16xi1>, vector<16xi32>
    %add3A_959 = arith.addi %mul3A_935, %select_n3A_958 : vector<16xi32>
    tpu.vector_store_idx %arg10[%add3A_932], %add3A_959 : memref<320xi32, #tpu.memory_space<vmem>>[vector<16xi32>], vector<16xi32>,
    %add3A_960 = arith.constant 3 : i32
    %add3A_961 = vector.broadcast %add3A_960 : i32 to vector<16xi32>
    %add3A_962 = arith.addi %add3A_121, %add3A_961 : vector<16xi32>
    %jit3A_963 = arith.constant 128 : i64
    %convert_element_type3A_964 = arith.trunci %jit3A_963 : i64 to i32
    %div3A_965 = vector.broadcast %convert_element_type3A_964 : i32 to vector<16xi32>
    %div3A_966 = arith.divsi %add3A_962, %div3A_965 : vector<16xi32>
    %sign3A_967 = arith.constant 0 : i32
    %sign3A_968 = vector.broadcast %sign3A_967 : i32 to vector<16xi32>
    %sign3A_969 = arith.cmpi sgt, %add3A_962, %sign3A_968 : vector<16xi32>
    %sign3A_970 = arith.extui %sign3A_969 : vector<16xi1> to vector<16xi32>
    %sign3A_971 = arith.constant 0 : i32
    %sign3A_972 = vector.broadcast %sign3A_971 : i32 to vector<16xi32>
    %sign3A_973 = arith.cmpi slt, %add3A_962, %sign3A_972 : vector<16xi32>
    %sign3A_974 = arith.extui %sign3A_973 : vector<16xi1> to vector<16xi32>
    %sign3A_975 = arith.subi %sign3A_970, %sign3A_974 : vector<16xi32>
    %sign3A_976 = arith.constant 0 : i32
    %sign3A_977 = arith.cmpi sgt, %convert_element_type3A_964, %sign3A_976 : i32
    %sign3A_978 = arith.extui %sign3A_977 : i1 to i32
    %sign3A_979 = arith.constant 0 : i32
    %sign3A_980 = arith.cmpi slt, %convert_element_type3A_964, %sign3A_979 : i32
    %sign3A_981 = arith.extui %sign3A_980 : i1 to i32
    %sign3A_982 = arith.subi %sign3A_978, %sign3A_981 : i32
    %ne3A_983 = vector.broadcast %sign3A_982 : i32 to vector<16xi32>
    %ne3A_984 = arith.cmpi ne, %sign3A_975, %ne3A_983 : vector<16xi32>
    %rem3A_985 = vector.broadcast %convert_element_type3A_964 : i32 to vector<16xi32>
    %rem3A_986 = arith.remsi %add3A_962, %rem3A_985 : vector<16xi32>
    %ne3A_987 = arith.constant 0 : i32
    %ne3A_988 = vector.broadcast %ne3A_987 : i32 to vector<16xi32>
    %ne3A_989 = arith.cmpi ne, %rem3A_986, %ne3A_988 : vector<16xi32>
    %and3A_990 = arith.andi %ne3A_984, %ne3A_989 : vector<16xi1>
    %sub3A_991 = arith.constant 1 : i32
    %sub3A_992 = vector.broadcast %sub3A_991 : i32 to vector<16xi32>
    %sub3A_993 = arith.subi %div3A_966, %sub3A_992 : vector<16xi32>
    %select_n3A_994 = arith.select %and3A_990, %sub3A_993, %div3A_966 : vector<16xi1>, vector<16xi32>
    %gather3A_995 = tpu.vector_load_idx %arg6[%add3A_752, %select_n3A_994] : memref<64x256xi32, #tpu.memory_space<vmem>>[vector<16xi32>, vector<16xi32>], vector<16xi32>,
    %mul3A_996 = arith.constant 5 : i32
    %mul3A_997 = vector.broadcast %mul3A_996 : i32 to vector<16xi32>
    %mul3A_998 = arith.muli %add3A_752, %mul3A_997 : vector<16xi32>
    %add3A_999 = arith.constant 3 : i32
    %add3A_1000 = vector.broadcast %add3A_999 : i32 to vector<16xi32>
    %add3A_1001 = arith.addi %mul3A_998, %add3A_1000 : vector<16xi32>
    %mul3A_1002 = arith.constant 128 : i32
    %mul3A_1003 = vector.broadcast %mul3A_1002 : i32 to vector<16xi32>
    %mul3A_1004 = arith.muli %gather3A_995, %mul3A_1003 : vector<16xi32>
    %jit3A_1005 = arith.constant 128 : i64
    %convert_element_type3A_1006 = arith.trunci %jit3A_1005 : i64 to i32
    %eq3A_1007 = arith.constant 0 : i32
    %eq3A_1008 = arith.cmpi eq, %convert_element_type3A_1006, %eq3A_1007 : i32
    %jit3A_1009 = arith.constant 1 : i32
    %select_n3A_1010 = arith.select %eq3A_1008, %jit3A_1009, %convert_element_type3A_1006 : i32
    %rem3A_1011 = vector.broadcast %select_n3A_1010 : i32 to vector<16xi32>
    %rem3A_1012 = arith.remsi %add3A_962, %rem3A_1011 : vector<16xi32>
    %ne3A_1013 = arith.constant 0 : i32
    %ne3A_1014 = vector.broadcast %ne3A_1013 : i32 to vector<16xi32>
    %ne3A_1015 = arith.cmpi ne, %rem3A_1012, %ne3A_1014 : vector<16xi32>
    %lt3A_1016 = arith.constant 0 : i32
    %lt3A_1017 = vector.broadcast %lt3A_1016 : i32 to vector<16xi32>
    %lt3A_1018 = arith.cmpi slt, %rem3A_1012, %lt3A_1017 : vector<16xi32>
    %lt3A_1019 = arith.constant 0 : i32
    %lt3A_1020 = arith.cmpi slt, %select_n3A_1010, %lt3A_1019 : i32
    %ne3A_1021 = vector.broadcast %lt3A_1020 : i1 to vector<16xi1>
    %ne3A_1022 = vector.broadcast %ne3A_1021 : vector<16xi1> to vector<16xi1>
    %ne3A_1023 = arith.xori %lt3A_1018, %ne3A_1022 : vector<16xi1>
    %and3A_1024 = arith.andi %ne3A_1023, %ne3A_1015 : vector<16xi1>
    %add3A_1025 = vector.broadcast %select_n3A_1010 : i32 to vector<16xi32>
    %add3A_1026 = arith.addi %rem3A_1012, %add3A_1025 : vector<16xi32>
    %select_n3A_1027 = arith.select %and3A_1024, %add3A_1026, %rem3A_1012 : vector<16xi1>, vector<16xi32>
    %add3A_1028 = arith.addi %mul3A_1004, %select_n3A_1027 : vector<16xi32>
    tpu.vector_store_idx %arg10[%add3A_1001], %add3A_1028 : memref<320xi32, #tpu.memory_space<vmem>>[vector<16xi32>], vector<16xi32>,
    %add3A_1029 = arith.constant 4 : i32
    %add3A_1030 = vector.broadcast %add3A_1029 : i32 to vector<16xi32>
    %add3A_1031 = arith.addi %add3A_121, %add3A_1030 : vector<16xi32>
    %jit3A_1032 = arith.constant 128 : i64
    %convert_element_type3A_1033 = arith.trunci %jit3A_1032 : i64 to i32
    %div3A_1034 = vector.broadcast %convert_element_type3A_1033 : i32 to vector<16xi32>
    %div3A_1035 = arith.divsi %add3A_1031, %div3A_1034 : vector<16xi32>
    %sign3A_1036 = arith.constant 0 : i32
    %sign3A_1037 = vector.broadcast %sign3A_1036 : i32 to vector<16xi32>
    %sign3A_1038 = arith.cmpi sgt, %add3A_1031, %sign3A_1037 : vector<16xi32>
    %sign3A_1039 = arith.extui %sign3A_1038 : vector<16xi1> to vector<16xi32>
    %sign3A_1040 = arith.constant 0 : i32
    %sign3A_1041 = vector.broadcast %sign3A_1040 : i32 to vector<16xi32>
    %sign3A_1042 = arith.cmpi slt, %add3A_1031, %sign3A_1041 : vector<16xi32>
    %sign3A_1043 = arith.extui %sign3A_1042 : vector<16xi1> to vector<16xi32>
    %sign3A_1044 = arith.subi %sign3A_1039, %sign3A_1043 : vector<16xi32>
    %sign3A_1045 = arith.constant 0 : i32
    %sign3A_1046 = arith.cmpi sgt, %convert_element_type3A_1033, %sign3A_1045 : i32
    %sign3A_1047 = arith.extui %sign3A_1046 : i1 to i32
    %sign3A_1048 = arith.constant 0 : i32
    %sign3A_1049 = arith.cmpi slt, %convert_element_type3A_1033, %sign3A_1048 : i32
    %sign3A_1050 = arith.extui %sign3A_1049 : i1 to i32
    %sign3A_1051 = arith.subi %sign3A_1047, %sign3A_1050 : i32
    %ne3A_1052 = vector.broadcast %sign3A_1051 : i32 to vector<16xi32>
    %ne3A_1053 = arith.cmpi ne, %sign3A_1044, %ne3A_1052 : vector<16xi32>
    %rem3A_1054 = vector.broadcast %convert_element_type3A_1033 : i32 to vector<16xi32>
    %rem3A_1055 = arith.remsi %add3A_1031, %rem3A_1054 : vector<16xi32>
    %ne3A_1056 = arith.constant 0 : i32
    %ne3A_1057 = vector.broadcast %ne3A_1056 : i32 to vector<16xi32>
    %ne3A_1058 = arith.cmpi ne, %rem3A_1055, %ne3A_1057 : vector<16xi32>
    %and3A_1059 = arith.andi %ne3A_1053, %ne3A_1058 : vector<16xi1>
    %sub3A_1060 = arith.constant 1 : i32
    %sub3A_1061 = vector.broadcast %sub3A_1060 : i32 to vector<16xi32>
    %sub3A_1062 = arith.subi %div3A_1035, %sub3A_1061 : vector<16xi32>
    %select_n3A_1063 = arith.select %and3A_1059, %sub3A_1062, %div3A_1035 : vector<16xi1>, vector<16xi32>
    %gather3A_1064 = tpu.vector_load_idx %arg6[%add3A_752, %select_n3A_1063] : memref<64x256xi32, #tpu.memory_space<vmem>>[vector<16xi32>, vector<16xi32>], vector<16xi32>,
    %mul3A_1065 = arith.constant 5 : i32
    %mul3A_1066 = vector.broadcast %mul3A_1065 : i32 to vector<16xi32>
    %mul3A_1067 = arith.muli %add3A_752, %mul3A_1066 : vector<16xi32>
    %add3A_1068 = arith.constant 4 : i32
    %add3A_1069 = vector.broadcast %add3A_1068 : i32 to vector<16xi32>
    %add3A_1070 = arith.addi %mul3A_1067, %add3A_1069 : vector<16xi32>
    %mul3A_1071 = arith.constant 128 : i32
    %mul3A_1072 = vector.broadcast %mul3A_1071 : i32 to vector<16xi32>
    %mul3A_1073 = arith.muli %gather3A_1064, %mul3A_1072 : vector<16xi32>
    %jit3A_1074 = arith.constant 128 : i64
    %convert_element_type3A_1075 = arith.trunci %jit3A_1074 : i64 to i32
    %eq3A_1076 = arith.constant 0 : i32
    %eq3A_1077 = arith.cmpi eq, %convert_element_type3A_1075, %eq3A_1076 : i32
    %jit3A_1078 = arith.constant 1 : i32
    %select_n3A_1079 = arith.select %eq3A_1077, %jit3A_1078, %convert_element_type3A_1075 : i32
    %rem3A_1080 = vector.broadcast %select_n3A_1079 : i32 to vector<16xi32>
    %rem3A_1081 = arith.remsi %add3A_1031, %rem3A_1080 : vector<16xi32>
    %ne3A_1082 = arith.constant 0 : i32
    %ne3A_1083 = vector.broadcast %ne3A_1082 : i32 to vector<16xi32>
    %ne3A_1084 = arith.cmpi ne, %rem3A_1081, %ne3A_1083 : vector<16xi32>
    %lt3A_1085 = arith.constant 0 : i32
    %lt3A_1086 = vector.broadcast %lt3A_1085 : i32 to vector<16xi32>
    %lt3A_1087 = arith.cmpi slt, %rem3A_1081, %lt3A_1086 : vector<16xi32>
    %lt3A_1088 = arith.constant 0 : i32
    %lt3A_1089 = arith.cmpi slt, %select_n3A_1079, %lt3A_1088 : i32
    %ne3A_1090 = vector.broadcast %lt3A_1089 : i1 to vector<16xi1>
    %ne3A_1091 = vector.broadcast %ne3A_1090 : vector<16xi1> to vector<16xi1>
    %ne3A_1092 = arith.xori %lt3A_1087, %ne3A_1091 : vector<16xi1>
    %and3A_1093 = arith.andi %ne3A_1092, %ne3A_1084 : vector<16xi1>
    %add3A_1094 = vector.broadcast %select_n3A_1079 : i32 to vector<16xi32>
    %add3A_1095 = arith.addi %rem3A_1081, %add3A_1094 : vector<16xi32>
    %select_n3A_1096 = arith.select %and3A_1093, %add3A_1095, %rem3A_1081 : vector<16xi1>, vector<16xi32>
    %add3A_1097 = arith.addi %mul3A_1073, %select_n3A_1096 : vector<16xi32>
    tpu.vector_store_idx %arg10[%add3A_1070], %add3A_1097 : memref<320xi32, #tpu.memory_space<vmem>>[vector<16xi32>], vector<16xi32>,
    %iota3A_1098 = tpu.iota {dimensions = array<i32: 0>} : vector<16xi32>
    %add3A_1099 = arith.constant 32 : i32
    %add3A_1100 = vector.broadcast %add3A_1099 : i32 to vector<16xi32>
    %add3A_1101 = arith.addi %iota3A_1098, %add3A_1100 : vector<16xi32>
    %add3A_1102 = arith.constant 0 : i32
    %add3A_1103 = vector.broadcast %add3A_1102 : i32 to vector<16xi32>
    %add3A_1104 = arith.addi %add3A_217, %add3A_1103 : vector<16xi32>
    %jit3A_1105 = arith.constant 128 : i64
    %convert_element_type3A_1106 = arith.trunci %jit3A_1105 : i64 to i32
    %div3A_1107 = vector.broadcast %convert_element_type3A_1106 : i32 to vector<16xi32>
    %div3A_1108 = arith.divsi %add3A_1104, %div3A_1107 : vector<16xi32>
    %sign3A_1109 = arith.constant 0 : i32
    %sign3A_1110 = vector.broadcast %sign3A_1109 : i32 to vector<16xi32>
    %sign3A_1111 = arith.cmpi sgt, %add3A_1104, %sign3A_1110 : vector<16xi32>
    %sign3A_1112 = arith.extui %sign3A_1111 : vector<16xi1> to vector<16xi32>
    %sign3A_1113 = arith.constant 0 : i32
    %sign3A_1114 = vector.broadcast %sign3A_1113 : i32 to vector<16xi32>
    %sign3A_1115 = arith.cmpi slt, %add3A_1104, %sign3A_1114 : vector<16xi32>
    %sign3A_1116 = arith.extui %sign3A_1115 : vector<16xi1> to vector<16xi32>
    %sign3A_1117 = arith.subi %sign3A_1112, %sign3A_1116 : vector<16xi32>
    %sign3A_1118 = arith.constant 0 : i32
    %sign3A_1119 = arith.cmpi sgt, %convert_element_type3A_1106, %sign3A_1118 : i32
    %sign3A_1120 = arith.extui %sign3A_1119 : i1 to i32
    %sign3A_1121 = arith.constant 0 : i32
    %sign3A_1122 = arith.cmpi slt, %convert_element_type3A_1106, %sign3A_1121 : i32
    %sign3A_1123 = arith.extui %sign3A_1122 : i1 to i32
    %sign3A_1124 = arith.subi %sign3A_1120, %sign3A_1123 : i32
    %ne3A_1125 = vector.broadcast %sign3A_1124 : i32 to vector<16xi32>
    %ne3A_1126 = arith.cmpi ne, %sign3A_1117, %ne3A_1125 : vector<16xi32>
    %rem3A_1127 = vector.broadcast %convert_element_type3A_1106 : i32 to vector<16xi32>
    %rem3A_1128 = arith.remsi %add3A_1104, %rem3A_1127 : vector<16xi32>
    %ne3A_1129 = arith.constant 0 : i32
    %ne3A_1130 = vector.broadcast %ne3A_1129 : i32 to vector<16xi32>
    %ne3A_1131 = arith.cmpi ne, %rem3A_1128, %ne3A_1130 : vector<16xi32>
    %and3A_1132 = arith.andi %ne3A_1126, %ne3A_1131 : vector<16xi1>
    %sub3A_1133 = arith.constant 1 : i32
    %sub3A_1134 = vector.broadcast %sub3A_1133 : i32 to vector<16xi32>
    %sub3A_1135 = arith.subi %div3A_1108, %sub3A_1134 : vector<16xi32>
    %select_n3A_1136 = arith.select %and3A_1132, %sub3A_1135, %div3A_1108 : vector<16xi1>, vector<16xi32>
    %gather3A_1137 = tpu.vector_load_idx %arg6[%add3A_1101, %select_n3A_1136] : memref<64x256xi32, #tpu.memory_space<vmem>>[vector<16xi32>, vector<16xi32>], vector<16xi32>,
    %mul3A_1138 = arith.constant 5 : i32
    %mul3A_1139 = vector.broadcast %mul3A_1138 : i32 to vector<16xi32>
    %mul3A_1140 = arith.muli %add3A_1101, %mul3A_1139 : vector<16xi32>
    %add3A_1141 = arith.constant 0 : i32
    %add3A_1142 = vector.broadcast %add3A_1141 : i32 to vector<16xi32>
    %add3A_1143 = arith.addi %mul3A_1140, %add3A_1142 : vector<16xi32>
    %mul3A_1144 = arith.constant 128 : i32
    %mul3A_1145 = vector.broadcast %mul3A_1144 : i32 to vector<16xi32>
    %mul3A_1146 = arith.muli %gather3A_1137, %mul3A_1145 : vector<16xi32>
    %jit3A_1147 = arith.constant 128 : i64
    %convert_element_type3A_1148 = arith.trunci %jit3A_1147 : i64 to i32
    %eq3A_1149 = arith.constant 0 : i32
    %eq3A_1150 = arith.cmpi eq, %convert_element_type3A_1148, %eq3A_1149 : i32
    %jit3A_1151 = arith.constant 1 : i32
    %select_n3A_1152 = arith.select %eq3A_1150, %jit3A_1151, %convert_element_type3A_1148 : i32
    %rem3A_1153 = vector.broadcast %select_n3A_1152 : i32 to vector<16xi32>
    %rem3A_1154 = arith.remsi %add3A_1104, %rem3A_1153 : vector<16xi32>
    %ne3A_1155 = arith.constant 0 : i32
    %ne3A_1156 = vector.broadcast %ne3A_1155 : i32 to vector<16xi32>
    %ne3A_1157 = arith.cmpi ne, %rem3A_1154, %ne3A_1156 : vector<16xi32>
    %lt3A_1158 = arith.constant 0 : i32
    %lt3A_1159 = vector.broadcast %lt3A_1158 : i32 to vector<16xi32>
    %lt3A_1160 = arith.cmpi slt, %rem3A_1154, %lt3A_1159 : vector<16xi32>
    %lt3A_1161 = arith.constant 0 : i32
    %lt3A_1162 = arith.cmpi slt, %select_n3A_1152, %lt3A_1161 : i32
    %ne3A_1163 = vector.broadcast %lt3A_1162 : i1 to vector<16xi1>
    %ne3A_1164 = vector.broadcast %ne3A_1163 : vector<16xi1> to vector<16xi1>
    %ne3A_1165 = arith.xori %lt3A_1160, %ne3A_1164 : vector<16xi1>
    %and3A_1166 = arith.andi %ne3A_1165, %ne3A_1157 : vector<16xi1>
    %add3A_1167 = vector.broadcast %select_n3A_1152 : i32 to vector<16xi32>
    %add3A_1168 = arith.addi %rem3A_1154, %add3A_1167 : vector<16xi32>
    %select_n3A_1169 = arith.select %and3A_1166, %add3A_1168, %rem3A_1154 : vector<16xi1>, vector<16xi32>
    %add3A_1170 = arith.addi %mul3A_1146, %select_n3A_1169 : vector<16xi32>
    tpu.vector_store_idx %arg10[%add3A_1143], %add3A_1170 : memref<320xi32, #tpu.memory_space<vmem>>[vector<16xi32>], vector<16xi32>,
    %add3A_1171 = arith.constant 1 : i32
    %add3A_1172 = vector.broadcast %add3A_1171 : i32 to vector<16xi32>
    %add3A_1173 = arith.addi %add3A_217, %add3A_1172 : vector<16xi32>
    %jit3A_1174 = arith.constant 128 : i64
    %convert_element_type3A_1175 = arith.trunci %jit3A_1174 : i64 to i32
    %div3A_1176 = vector.broadcast %convert_element_type3A_1175 : i32 to vector<16xi32>
    %div3A_1177 = arith.divsi %add3A_1173, %div3A_1176 : vector<16xi32>
    %sign3A_1178 = arith.constant 0 : i32
    %sign3A_1179 = vector.broadcast %sign3A_1178 : i32 to vector<16xi32>
    %sign3A_1180 = arith.cmpi sgt, %add3A_1173, %sign3A_1179 : vector<16xi32>
    %sign3A_1181 = arith.extui %sign3A_1180 : vector<16xi1> to vector<16xi32>
    %sign3A_1182 = arith.constant 0 : i32
    %sign3A_1183 = vector.broadcast %sign3A_1182 : i32 to vector<16xi32>
    %sign3A_1184 = arith.cmpi slt, %add3A_1173, %sign3A_1183 : vector<16xi32>
    %sign3A_1185 = arith.extui %sign3A_1184 : vector<16xi1> to vector<16xi32>
    %sign3A_1186 = arith.subi %sign3A_1181, %sign3A_1185 : vector<16xi32>
    %sign3A_1187 = arith.constant 0 : i32
    %sign3A_1188 = arith.cmpi sgt, %convert_element_type3A_1175, %sign3A_1187 : i32
    %sign3A_1189 = arith.extui %sign3A_1188 : i1 to i32
    %sign3A_1190 = arith.constant 0 : i32
    %sign3A_1191 = arith.cmpi slt, %convert_element_type3A_1175, %sign3A_1190 : i32
    %sign3A_1192 = arith.extui %sign3A_1191 : i1 to i32
    %sign3A_1193 = arith.subi %sign3A_1189, %sign3A_1192 : i32
    %ne3A_1194 = vector.broadcast %sign3A_1193 : i32 to vector<16xi32>
    %ne3A_1195 = arith.cmpi ne, %sign3A_1186, %ne3A_1194 : vector<16xi32>
    %rem3A_1196 = vector.broadcast %convert_element_type3A_1175 : i32 to vector<16xi32>
    %rem3A_1197 = arith.remsi %add3A_1173, %rem3A_1196 : vector<16xi32>
    %ne3A_1198 = arith.constant 0 : i32
    %ne3A_1199 = vector.broadcast %ne3A_1198 : i32 to vector<16xi32>
    %ne3A_1200 = arith.cmpi ne, %rem3A_1197, %ne3A_1199 : vector<16xi32>
    %and3A_1201 = arith.andi %ne3A_1195, %ne3A_1200 : vector<16xi1>
    %sub3A_1202 = arith.constant 1 : i32
    %sub3A_1203 = vector.broadcast %sub3A_1202 : i32 to vector<16xi32>
    %sub3A_1204 = arith.subi %div3A_1177, %sub3A_1203 : vector<16xi32>
    %select_n3A_1205 = arith.select %and3A_1201, %sub3A_1204, %div3A_1177 : vector<16xi1>, vector<16xi32>
    %gather3A_1206 = tpu.vector_load_idx %arg6[%add3A_1101, %select_n3A_1205] : memref<64x256xi32, #tpu.memory_space<vmem>>[vector<16xi32>, vector<16xi32>], vector<16xi32>,
    %mul3A_1207 = arith.constant 5 : i32
    %mul3A_1208 = vector.broadcast %mul3A_1207 : i32 to vector<16xi32>
    %mul3A_1209 = arith.muli %add3A_1101, %mul3A_1208 : vector<16xi32>
    %add3A_1210 = arith.constant 1 : i32
    %add3A_1211 = vector.broadcast %add3A_1210 : i32 to vector<16xi32>
    %add3A_1212 = arith.addi %mul3A_1209, %add3A_1211 : vector<16xi32>
    %mul3A_1213 = arith.constant 128 : i32
    %mul3A_1214 = vector.broadcast %mul3A_1213 : i32 to vector<16xi32>
    %mul3A_1215 = arith.muli %gather3A_1206, %mul3A_1214 : vector<16xi32>
    %jit3A_1216 = arith.constant 128 : i64
    %convert_element_type3A_1217 = arith.trunci %jit3A_1216 : i64 to i32
    %eq3A_1218 = arith.constant 0 : i32
    %eq3A_1219 = arith.cmpi eq, %convert_element_type3A_1217, %eq3A_1218 : i32
    %jit3A_1220 = arith.constant 1 : i32
    %select_n3A_1221 = arith.select %eq3A_1219, %jit3A_1220, %convert_element_type3A_1217 : i32
    %rem3A_1222 = vector.broadcast %select_n3A_1221 : i32 to vector<16xi32>
    %rem3A_1223 = arith.remsi %add3A_1173, %rem3A_1222 : vector<16xi32>
    %ne3A_1224 = arith.constant 0 : i32
    %ne3A_1225 = vector.broadcast %ne3A_1224 : i32 to vector<16xi32>
    %ne3A_1226 = arith.cmpi ne, %rem3A_1223, %ne3A_1225 : vector<16xi32>
    %lt3A_1227 = arith.constant 0 : i32
    %lt3A_1228 = vector.broadcast %lt3A_1227 : i32 to vector<16xi32>
    %lt3A_1229 = arith.cmpi slt, %rem3A_1223, %lt3A_1228 : vector<16xi32>
    %lt3A_1230 = arith.constant 0 : i32
    %lt3A_1231 = arith.cmpi slt, %select_n3A_1221, %lt3A_1230 : i32
    %ne3A_1232 = vector.broadcast %lt3A_1231 : i1 to vector<16xi1>
    %ne3A_1233 = vector.broadcast %ne3A_1232 : vector<16xi1> to vector<16xi1>
    %ne3A_1234 = arith.xori %lt3A_1229, %ne3A_1233 : vector<16xi1>
    %and3A_1235 = arith.andi %ne3A_1234, %ne3A_1226 : vector<16xi1>
    %add3A_1236 = vector.broadcast %select_n3A_1221 : i32 to vector<16xi32>
    %add3A_1237 = arith.addi %rem3A_1223, %add3A_1236 : vector<16xi32>
    %select_n3A_1238 = arith.select %and3A_1235, %add3A_1237, %rem3A_1223 : vector<16xi1>, vector<16xi32>
    %add3A_1239 = arith.addi %mul3A_1215, %select_n3A_1238 : vector<16xi32>
    tpu.vector_store_idx %arg10[%add3A_1212], %add3A_1239 : memref<320xi32, #tpu.memory_space<vmem>>[vector<16xi32>], vector<16xi32>,
    %add3A_1240 = arith.constant 2 : i32
    %add3A_1241 = vector.broadcast %add3A_1240 : i32 to vector<16xi32>
    %add3A_1242 = arith.addi %add3A_217, %add3A_1241 : vector<16xi32>
    %jit3A_1243 = arith.constant 128 : i64
    %convert_element_type3A_1244 = arith.trunci %jit3A_1243 : i64 to i32
    %div3A_1245 = vector.broadcast %convert_element_type3A_1244 : i32 to vector<16xi32>
    %div3A_1246 = arith.divsi %add3A_1242, %div3A_1245 : vector<16xi32>
    %sign3A_1247 = arith.constant 0 : i32
    %sign3A_1248 = vector.broadcast %sign3A_1247 : i32 to vector<16xi32>
    %sign3A_1249 = arith.cmpi sgt, %add3A_1242, %sign3A_1248 : vector<16xi32>
    %sign3A_1250 = arith.extui %sign3A_1249 : vector<16xi1> to vector<16xi32>
    %sign3A_1251 = arith.constant 0 : i32
    %sign3A_1252 = vector.broadcast %sign3A_1251 : i32 to vector<16xi32>
    %sign3A_1253 = arith.cmpi slt, %add3A_1242, %sign3A_1252 : vector<16xi32>
    %sign3A_1254 = arith.extui %sign3A_1253 : vector<16xi1> to vector<16xi32>
    %sign3A_1255 = arith.subi %sign3A_1250, %sign3A_1254 : vector<16xi32>
    %sign3A_1256 = arith.constant 0 : i32
    %sign3A_1257 = arith.cmpi sgt, %convert_element_type3A_1244, %sign3A_1256 : i32
    %sign3A_1258 = arith.extui %sign3A_1257 : i1 to i32
    %sign3A_1259 = arith.constant 0 : i32
    %sign3A_1260 = arith.cmpi slt, %convert_element_type3A_1244, %sign3A_1259 : i32
    %sign3A_1261 = arith.extui %sign3A_1260 : i1 to i32
    %sign3A_1262 = arith.subi %sign3A_1258, %sign3A_1261 : i32
    %ne3A_1263 = vector.broadcast %sign3A_1262 : i32 to vector<16xi32>
    %ne3A_1264 = arith.cmpi ne, %sign3A_1255, %ne3A_1263 : vector<16xi32>
    %rem3A_1265 = vector.broadcast %convert_element_type3A_1244 : i32 to vector<16xi32>
    %rem3A_1266 = arith.remsi %add3A_1242, %rem3A_1265 : vector<16xi32>
    %ne3A_1267 = arith.constant 0 : i32
    %ne3A_1268 = vector.broadcast %ne3A_1267 : i32 to vector<16xi32>
    %ne3A_1269 = arith.cmpi ne, %rem3A_1266, %ne3A_1268 : vector<16xi32>
    %and3A_1270 = arith.andi %ne3A_1264, %ne3A_1269 : vector<16xi1>
    %sub3A_1271 = arith.constant 1 : i32
    %sub3A_1272 = vector.broadcast %sub3A_1271 : i32 to vector<16xi32>
    %sub3A_1273 = arith.subi %div3A_1246, %sub3A_1272 : vector<16xi32>
    %select_n3A_1274 = arith.select %and3A_1270, %sub3A_1273, %div3A_1246 : vector<16xi1>, vector<16xi32>
    %gather3A_1275 = tpu.vector_load_idx %arg6[%add3A_1101, %select_n3A_1274] : memref<64x256xi32, #tpu.memory_space<vmem>>[vector<16xi32>, vector<16xi32>], vector<16xi32>,
    %mul3A_1276 = arith.constant 5 : i32
    %mul3A_1277 = vector.broadcast %mul3A_1276 : i32 to vector<16xi32>
    %mul3A_1278 = arith.muli %add3A_1101, %mul3A_1277 : vector<16xi32>
    %add3A_1279 = arith.constant 2 : i32
    %add3A_1280 = vector.broadcast %add3A_1279 : i32 to vector<16xi32>
    %add3A_1281 = arith.addi %mul3A_1278, %add3A_1280 : vector<16xi32>
    %mul3A_1282 = arith.constant 128 : i32
    %mul3A_1283 = vector.broadcast %mul3A_1282 : i32 to vector<16xi32>
    %mul3A_1284 = arith.muli %gather3A_1275, %mul3A_1283 : vector<16xi32>
    %jit3A_1285 = arith.constant 128 : i64
    %convert_element_type3A_1286 = arith.trunci %jit3A_1285 : i64 to i32
    %eq3A_1287 = arith.constant 0 : i32
    %eq3A_1288 = arith.cmpi eq, %convert_element_type3A_1286, %eq3A_1287 : i32
    %jit3A_1289 = arith.constant 1 : i32
    %select_n3A_1290 = arith.select %eq3A_1288, %jit3A_1289, %convert_element_type3A_1286 : i32
    %rem3A_1291 = vector.broadcast %select_n3A_1290 : i32 to vector<16xi32>
    %rem3A_1292 = arith.remsi %add3A_1242, %rem3A_1291 : vector<16xi32>
    %ne3A_1293 = arith.constant 0 : i32
    %ne3A_1294 = vector.broadcast %ne3A_1293 : i32 to vector<16xi32>
    %ne3A_1295 = arith.cmpi ne, %rem3A_1292, %ne3A_1294 : vector<16xi32>
    %lt3A_1296 = arith.constant 0 : i32
    %lt3A_1297 = vector.broadcast %lt3A_1296 : i32 to vector<16xi32>
    %lt3A_1298 = arith.cmpi slt, %rem3A_1292, %lt3A_1297 : vector<16xi32>
    %lt3A_1299 = arith.constant 0 : i32
    %lt3A_1300 = arith.cmpi slt, %select_n3A_1290, %lt3A_1299 : i32
    %ne3A_1301 = vector.broadcast %lt3A_1300 : i1 to vector<16xi1>
    %ne3A_1302 = vector.broadcast %ne3A_1301 : vector<16xi1> to vector<16xi1>
    %ne3A_1303 = arith.xori %lt3A_1298, %ne3A_1302 : vector<16xi1>
    %and3A_1304 = arith.andi %ne3A_1303, %ne3A_1295 : vector<16xi1>
    %add3A_1305 = vector.broadcast %select_n3A_1290 : i32 to vector<16xi32>
    %add3A_1306 = arith.addi %rem3A_1292, %add3A_1305 : vector<16xi32>
    %select_n3A_1307 = arith.select %and3A_1304, %add3A_1306, %rem3A_1292 : vector<16xi1>, vector<16xi32>
    %add3A_1308 = arith.addi %mul3A_1284, %select_n3A_1307 : vector<16xi32>
    tpu.vector_store_idx %arg10[%add3A_1281], %add3A_1308 : memref<320xi32, #tpu.memory_space<vmem>>[vector<16xi32>], vector<16xi32>,
    %add3A_1309 = arith.constant 3 : i32
    %add3A_1310 = vector.broadcast %add3A_1309 : i32 to vector<16xi32>
    %add3A_1311 = arith.addi %add3A_217, %add3A_1310 : vector<16xi32>
    %jit3A_1312 = arith.constant 128 : i64
    %convert_element_type3A_1313 = arith.trunci %jit3A_1312 : i64 to i32
    %div3A_1314 = vector.broadcast %convert_element_type3A_1313 : i32 to vector<16xi32>
    %div3A_1315 = arith.divsi %add3A_1311, %div3A_1314 : vector<16xi32>
    %sign3A_1316 = arith.constant 0 : i32
    %sign3A_1317 = vector.broadcast %sign3A_1316 : i32 to vector<16xi32>
    %sign3A_1318 = arith.cmpi sgt, %add3A_1311, %sign3A_1317 : vector<16xi32>
    %sign3A_1319 = arith.extui %sign3A_1318 : vector<16xi1> to vector<16xi32>
    %sign3A_1320 = arith.constant 0 : i32
    %sign3A_1321 = vector.broadcast %sign3A_1320 : i32 to vector<16xi32>
    %sign3A_1322 = arith.cmpi slt, %add3A_1311, %sign3A_1321 : vector<16xi32>
    %sign3A_1323 = arith.extui %sign3A_1322 : vector<16xi1> to vector<16xi32>
    %sign3A_1324 = arith.subi %sign3A_1319, %sign3A_1323 : vector<16xi32>
    %sign3A_1325 = arith.constant 0 : i32
    %sign3A_1326 = arith.cmpi sgt, %convert_element_type3A_1313, %sign3A_1325 : i32
    %sign3A_1327 = arith.extui %sign3A_1326 : i1 to i32
    %sign3A_1328 = arith.constant 0 : i32
    %sign3A_1329 = arith.cmpi slt, %convert_element_type3A_1313, %sign3A_1328 : i32
    %sign3A_1330 = arith.extui %sign3A_1329 : i1 to i32
    %sign3A_1331 = arith.subi %sign3A_1327, %sign3A_1330 : i32
    %ne3A_1332 = vector.broadcast %sign3A_1331 : i32 to vector<16xi32>
    %ne3A_1333 = arith.cmpi ne, %sign3A_1324, %ne3A_1332 : vector<16xi32>
    %rem3A_1334 = vector.broadcast %convert_element_type3A_1313 : i32 to vector<16xi32>
    %rem3A_1335 = arith.remsi %add3A_1311, %rem3A_1334 : vector<16xi32>
    %ne3A_1336 = arith.constant 0 : i32
    %ne3A_1337 = vector.broadcast %ne3A_1336 : i32 to vector<16xi32>
    %ne3A_1338 = arith.cmpi ne, %rem3A_1335, %ne3A_1337 : vector<16xi32>
    %and3A_1339 = arith.andi %ne3A_1333, %ne3A_1338 : vector<16xi1>
    %sub3A_1340 = arith.constant 1 : i32
    %sub3A_1341 = vector.broadcast %sub3A_1340 : i32 to vector<16xi32>
    %sub3A_1342 = arith.subi %div3A_1315, %sub3A_1341 : vector<16xi32>
    %select_n3A_1343 = arith.select %and3A_1339, %sub3A_1342, %div3A_1315 : vector<16xi1>, vector<16xi32>
    %gather3A_1344 = tpu.vector_load_idx %arg6[%add3A_1101, %select_n3A_1343] : memref<64x256xi32, #tpu.memory_space<vmem>>[vector<16xi32>, vector<16xi32>], vector<16xi32>,
    %mul3A_1345 = arith.constant 5 : i32
    %mul3A_1346 = vector.broadcast %mul3A_1345 : i32 to vector<16xi32>
    %mul3A_1347 = arith.muli %add3A_1101, %mul3A_1346 : vector<16xi32>
    %add3A_1348 = arith.constant 3 : i32
    %add3A_1349 = vector.broadcast %add3A_1348 : i32 to vector<16xi32>
    %add3A_1350 = arith.addi %mul3A_1347, %add3A_1349 : vector<16xi32>
    %mul3A_1351 = arith.constant 128 : i32
    %mul3A_1352 = vector.broadcast %mul3A_1351 : i32 to vector<16xi32>
    %mul3A_1353 = arith.muli %gather3A_1344, %mul3A_1352 : vector<16xi32>
    %jit3A_1354 = arith.constant 128 : i64
    %convert_element_type3A_1355 = arith.trunci %jit3A_1354 : i64 to i32
    %eq3A_1356 = arith.constant 0 : i32
    %eq3A_1357 = arith.cmpi eq, %convert_element_type3A_1355, %eq3A_1356 : i32
    %jit3A_1358 = arith.constant 1 : i32
    %select_n3A_1359 = arith.select %eq3A_1357, %jit3A_1358, %convert_element_type3A_1355 : i32
    %rem3A_1360 = vector.broadcast %select_n3A_1359 : i32 to vector<16xi32>
    %rem3A_1361 = arith.remsi %add3A_1311, %rem3A_1360 : vector<16xi32>
    %ne3A_1362 = arith.constant 0 : i32
    %ne3A_1363 = vector.broadcast %ne3A_1362 : i32 to vector<16xi32>
    %ne3A_1364 = arith.cmpi ne, %rem3A_1361, %ne3A_1363 : vector<16xi32>
    %lt3A_1365 = arith.constant 0 : i32
    %lt3A_1366 = vector.broadcast %lt3A_1365 : i32 to vector<16xi32>
    %lt3A_1367 = arith.cmpi slt, %rem3A_1361, %lt3A_1366 : vector<16xi32>
    %lt3A_1368 = arith.constant 0 : i32
    %lt3A_1369 = arith.cmpi slt, %select_n3A_1359, %lt3A_1368 : i32
    %ne3A_1370 = vector.broadcast %lt3A_1369 : i1 to vector<16xi1>
    %ne3A_1371 = vector.broadcast %ne3A_1370 : vector<16xi1> to vector<16xi1>
    %ne3A_1372 = arith.xori %lt3A_1367, %ne3A_1371 : vector<16xi1>
    %and3A_1373 = arith.andi %ne3A_1372, %ne3A_1364 : vector<16xi1>
    %add3A_1374 = vector.broadcast %select_n3A_1359 : i32 to vector<16xi32>
    %add3A_1375 = arith.addi %rem3A_1361, %add3A_1374 : vector<16xi32>
    %select_n3A_1376 = arith.select %and3A_1373, %add3A_1375, %rem3A_1361 : vector<16xi1>, vector<16xi32>
    %add3A_1377 = arith.addi %mul3A_1353, %select_n3A_1376 : vector<16xi32>
    tpu.vector_store_idx %arg10[%add3A_1350], %add3A_1377 : memref<320xi32, #tpu.memory_space<vmem>>[vector<16xi32>], vector<16xi32>,
    %add3A_1378 = arith.constant 4 : i32
    %add3A_1379 = vector.broadcast %add3A_1378 : i32 to vector<16xi32>
    %add3A_1380 = arith.addi %add3A_217, %add3A_1379 : vector<16xi32>
    %jit3A_1381 = arith.constant 128 : i64
    %convert_element_type3A_1382 = arith.trunci %jit3A_1381 : i64 to i32
    %div3A_1383 = vector.broadcast %convert_element_type3A_1382 : i32 to vector<16xi32>
    %div3A_1384 = arith.divsi %add3A_1380, %div3A_1383 : vector<16xi32>
    %sign3A_1385 = arith.constant 0 : i32
    %sign3A_1386 = vector.broadcast %sign3A_1385 : i32 to vector<16xi32>
    %sign3A_1387 = arith.cmpi sgt, %add3A_1380, %sign3A_1386 : vector<16xi32>
    %sign3A_1388 = arith.extui %sign3A_1387 : vector<16xi1> to vector<16xi32>
    %sign3A_1389 = arith.constant 0 : i32
    %sign3A_1390 = vector.broadcast %sign3A_1389 : i32 to vector<16xi32>
    %sign3A_1391 = arith.cmpi slt, %add3A_1380, %sign3A_1390 : vector<16xi32>
    %sign3A_1392 = arith.extui %sign3A_1391 : vector<16xi1> to vector<16xi32>
    %sign3A_1393 = arith.subi %sign3A_1388, %sign3A_1392 : vector<16xi32>
    %sign3A_1394 = arith.constant 0 : i32
    %sign3A_1395 = arith.cmpi sgt, %convert_element_type3A_1382, %sign3A_1394 : i32
    %sign3A_1396 = arith.extui %sign3A_1395 : i1 to i32
    %sign3A_1397 = arith.constant 0 : i32
    %sign3A_1398 = arith.cmpi slt, %convert_element_type3A_1382, %sign3A_1397 : i32
    %sign3A_1399 = arith.extui %sign3A_1398 : i1 to i32
    %sign3A_1400 = arith.subi %sign3A_1396, %sign3A_1399 : i32
    %ne3A_1401 = vector.broadcast %sign3A_1400 : i32 to vector<16xi32>
    %ne3A_1402 = arith.cmpi ne, %sign3A_1393, %ne3A_1401 : vector<16xi32>
    %rem3A_1403 = vector.broadcast %convert_element_type3A_1382 : i32 to vector<16xi32>
    %rem3A_1404 = arith.remsi %add3A_1380, %rem3A_1403 : vector<16xi32>
    %ne3A_1405 = arith.constant 0 : i32
    %ne3A_1406 = vector.broadcast %ne3A_1405 : i32 to vector<16xi32>
    %ne3A_1407 = arith.cmpi ne, %rem3A_1404, %ne3A_1406 : vector<16xi32>
    %and3A_1408 = arith.andi %ne3A_1402, %ne3A_1407 : vector<16xi1>
    %sub3A_1409 = arith.constant 1 : i32
    %sub3A_1410 = vector.broadcast %sub3A_1409 : i32 to vector<16xi32>
    %sub3A_1411 = arith.subi %div3A_1384, %sub3A_1410 : vector<16xi32>
    %select_n3A_1412 = arith.select %and3A_1408, %sub3A_1411, %div3A_1384 : vector<16xi1>, vector<16xi32>
    %gather3A_1413 = tpu.vector_load_idx %arg6[%add3A_1101, %select_n3A_1412] : memref<64x256xi32, #tpu.memory_space<vmem>>[vector<16xi32>, vector<16xi32>], vector<16xi32>,
    %mul3A_1414 = arith.constant 5 : i32
    %mul3A_1415 = vector.broadcast %mul3A_1414 : i32 to vector<16xi32>
    %mul3A_1416 = arith.muli %add3A_1101, %mul3A_1415 : vector<16xi32>
    %add3A_1417 = arith.constant 4 : i32
    %add3A_1418 = vector.broadcast %add3A_1417 : i32 to vector<16xi32>
    %add3A_1419 = arith.addi %mul3A_1416, %add3A_1418 : vector<16xi32>
    %mul3A_1420 = arith.constant 128 : i32
    %mul3A_1421 = vector.broadcast %mul3A_1420 : i32 to vector<16xi32>
    %mul3A_1422 = arith.muli %gather3A_1413, %mul3A_1421 : vector<16xi32>
    %jit3A_1423 = arith.constant 128 : i64
    %convert_element_type3A_1424 = arith.trunci %jit3A_1423 : i64 to i32
    %eq3A_1425 = arith.constant 0 : i32
    %eq3A_1426 = arith.cmpi eq, %convert_element_type3A_1424, %eq3A_1425 : i32
    %jit3A_1427 = arith.constant 1 : i32
    %select_n3A_1428 = arith.select %eq3A_1426, %jit3A_1427, %convert_element_type3A_1424 : i32
    %rem3A_1429 = vector.broadcast %select_n3A_1428 : i32 to vector<16xi32>
    %rem3A_1430 = arith.remsi %add3A_1380, %rem3A_1429 : vector<16xi32>
    %ne3A_1431 = arith.constant 0 : i32
    %ne3A_1432 = vector.broadcast %ne3A_1431 : i32 to vector<16xi32>
    %ne3A_1433 = arith.cmpi ne, %rem3A_1430, %ne3A_1432 : vector<16xi32>
    %lt3A_1434 = arith.constant 0 : i32
    %lt3A_1435 = vector.broadcast %lt3A_1434 : i32 to vector<16xi32>
    %lt3A_1436 = arith.cmpi slt, %rem3A_1430, %lt3A_1435 : vector<16xi32>
    %lt3A_1437 = arith.constant 0 : i32
    %lt3A_1438 = arith.cmpi slt, %select_n3A_1428, %lt3A_1437 : i32
    %ne3A_1439 = vector.broadcast %lt3A_1438 : i1 to vector<16xi1>
    %ne3A_1440 = vector.broadcast %ne3A_1439 : vector<16xi1> to vector<16xi1>
    %ne3A_1441 = arith.xori %lt3A_1436, %ne3A_1440 : vector<16xi1>
    %and3A_1442 = arith.andi %ne3A_1441, %ne3A_1433 : vector<16xi1>
    %add3A_1443 = vector.broadcast %select_n3A_1428 : i32 to vector<16xi32>
    %add3A_1444 = arith.addi %rem3A_1430, %add3A_1443 : vector<16xi32>
    %select_n3A_1445 = arith.select %and3A_1442, %add3A_1444, %rem3A_1430 : vector<16xi1>, vector<16xi32>
    %add3A_1446 = arith.addi %mul3A_1422, %select_n3A_1445 : vector<16xi32>
    tpu.vector_store_idx %arg10[%add3A_1419], %add3A_1446 : memref<320xi32, #tpu.memory_space<vmem>>[vector<16xi32>], vector<16xi32>,
    %iota3A_1447 = tpu.iota {dimensions = array<i32: 0>} : vector<16xi32>
    %add3A_1448 = arith.constant 48 : i32
    %add3A_1449 = vector.broadcast %add3A_1448 : i32 to vector<16xi32>
    %add3A_1450 = arith.addi %iota3A_1447, %add3A_1449 : vector<16xi32>
    %add3A_1451 = arith.constant 0 : i32
    %add3A_1452 = vector.broadcast %add3A_1451 : i32 to vector<16xi32>
    %add3A_1453 = arith.addi %add3A_313, %add3A_1452 : vector<16xi32>
    %jit3A_1454 = arith.constant 128 : i64
    %convert_element_type3A_1455 = arith.trunci %jit3A_1454 : i64 to i32
    %div3A_1456 = vector.broadcast %convert_element_type3A_1455 : i32 to vector<16xi32>
    %div3A_1457 = arith.divsi %add3A_1453, %div3A_1456 : vector<16xi32>
    %sign3A_1458 = arith.constant 0 : i32
    %sign3A_1459 = vector.broadcast %sign3A_1458 : i32 to vector<16xi32>
    %sign3A_1460 = arith.cmpi sgt, %add3A_1453, %sign3A_1459 : vector<16xi32>
    %sign3A_1461 = arith.extui %sign3A_1460 : vector<16xi1> to vector<16xi32>
    %sign3A_1462 = arith.constant 0 : i32
    %sign3A_1463 = vector.broadcast %sign3A_1462 : i32 to vector<16xi32>
    %sign3A_1464 = arith.cmpi slt, %add3A_1453, %sign3A_1463 : vector<16xi32>
    %sign3A_1465 = arith.extui %sign3A_1464 : vector<16xi1> to vector<16xi32>
    %sign3A_1466 = arith.subi %sign3A_1461, %sign3A_1465 : vector<16xi32>
    %sign3A_1467 = arith.constant 0 : i32
    %sign3A_1468 = arith.cmpi sgt, %convert_element_type3A_1455, %sign3A_1467 : i32
    %sign3A_1469 = arith.extui %sign3A_1468 : i1 to i32
    %sign3A_1470 = arith.constant 0 : i32
    %sign3A_1471 = arith.cmpi slt, %convert_element_type3A_1455, %sign3A_1470 : i32
    %sign3A_1472 = arith.extui %sign3A_1471 : i1 to i32
    %sign3A_1473 = arith.subi %sign3A_1469, %sign3A_1472 : i32
    %ne3A_1474 = vector.broadcast %sign3A_1473 : i32 to vector<16xi32>
    %ne3A_1475 = arith.cmpi ne, %sign3A_1466, %ne3A_1474 : vector<16xi32>
    %rem3A_1476 = vector.broadcast %convert_element_type3A_1455 : i32 to vector<16xi32>
    %rem3A_1477 = arith.remsi %add3A_1453, %rem3A_1476 : vector<16xi32>
    %ne3A_1478 = arith.constant 0 : i32
    %ne3A_1479 = vector.broadcast %ne3A_1478 : i32 to vector<16xi32>
    %ne3A_1480 = arith.cmpi ne, %rem3A_1477, %ne3A_1479 : vector<16xi32>
    %and3A_1481 = arith.andi %ne3A_1475, %ne3A_1480 : vector<16xi1>
    %sub3A_1482 = arith.constant 1 : i32
    %sub3A_1483 = vector.broadcast %sub3A_1482 : i32 to vector<16xi32>
    %sub3A_1484 = arith.subi %div3A_1457, %sub3A_1483 : vector<16xi32>
    %select_n3A_1485 = arith.select %and3A_1481, %sub3A_1484, %div3A_1457 : vector<16xi1>, vector<16xi32>
    %gather3A_1486 = tpu.vector_load_idx %arg6[%add3A_1450, %select_n3A_1485] : memref<64x256xi32, #tpu.memory_space<vmem>>[vector<16xi32>, vector<16xi32>], vector<16xi32>,
    %mul3A_1487 = arith.constant 5 : i32
    %mul3A_1488 = vector.broadcast %mul3A_1487 : i32 to vector<16xi32>
    %mul3A_1489 = arith.muli %add3A_1450, %mul3A_1488 : vector<16xi32>
    %add3A_1490 = arith.constant 0 : i32
    %add3A_1491 = vector.broadcast %add3A_1490 : i32 to vector<16xi32>
    %add3A_1492 = arith.addi %mul3A_1489, %add3A_1491 : vector<16xi32>
    %mul3A_1493 = arith.constant 128 : i32
    %mul3A_1494 = vector.broadcast %mul3A_1493 : i32 to vector<16xi32>
    %mul3A_1495 = arith.muli %gather3A_1486, %mul3A_1494 : vector<16xi32>
    %jit3A_1496 = arith.constant 128 : i64
    %convert_element_type3A_1497 = arith.trunci %jit3A_1496 : i64 to i32
    %eq3A_1498 = arith.constant 0 : i32
    %eq3A_1499 = arith.cmpi eq, %convert_element_type3A_1497, %eq3A_1498 : i32
    %jit3A_1500 = arith.constant 1 : i32
    %select_n3A_1501 = arith.select %eq3A_1499, %jit3A_1500, %convert_element_type3A_1497 : i32
    %rem3A_1502 = vector.broadcast %select_n3A_1501 : i32 to vector<16xi32>
    %rem3A_1503 = arith.remsi %add3A_1453, %rem3A_1502 : vector<16xi32>
    %ne3A_1504 = arith.constant 0 : i32
    %ne3A_1505 = vector.broadcast %ne3A_1504 : i32 to vector<16xi32>
    %ne3A_1506 = arith.cmpi ne, %rem3A_1503, %ne3A_1505 : vector<16xi32>
    %lt3A_1507 = arith.constant 0 : i32
    %lt3A_1508 = vector.broadcast %lt3A_1507 : i32 to vector<16xi32>
    %lt3A_1509 = arith.cmpi slt, %rem3A_1503, %lt3A_1508 : vector<16xi32>
    %lt3A_1510 = arith.constant 0 : i32
    %lt3A_1511 = arith.cmpi slt, %select_n3A_1501, %lt3A_1510 : i32
    %ne3A_1512 = vector.broadcast %lt3A_1511 : i1 to vector<16xi1>
    %ne3A_1513 = vector.broadcast %ne3A_1512 : vector<16xi1> to vector<16xi1>
    %ne3A_1514 = arith.xori %lt3A_1509, %ne3A_1513 : vector<16xi1>
    %and3A_1515 = arith.andi %ne3A_1514, %ne3A_1506 : vector<16xi1>
    %add3A_1516 = vector.broadcast %select_n3A_1501 : i32 to vector<16xi32>
    %add3A_1517 = arith.addi %rem3A_1503, %add3A_1516 : vector<16xi32>
    %select_n3A_1518 = arith.select %and3A_1515, %add3A_1517, %rem3A_1503 : vector<16xi1>, vector<16xi32>
    %add3A_1519 = arith.addi %mul3A_1495, %select_n3A_1518 : vector<16xi32>
    tpu.vector_store_idx %arg10[%add3A_1492], %add3A_1519 : memref<320xi32, #tpu.memory_space<vmem>>[vector<16xi32>], vector<16xi32>,
    %add3A_1520 = arith.constant 1 : i32
    %add3A_1521 = vector.broadcast %add3A_1520 : i32 to vector<16xi32>
    %add3A_1522 = arith.addi %add3A_313, %add3A_1521 : vector<16xi32>
    %jit3A_1523 = arith.constant 128 : i64
    %convert_element_type3A_1524 = arith.trunci %jit3A_1523 : i64 to i32
    %div3A_1525 = vector.broadcast %convert_element_type3A_1524 : i32 to vector<16xi32>
    %div3A_1526 = arith.divsi %add3A_1522, %div3A_1525 : vector<16xi32>
    %sign3A_1527 = arith.constant 0 : i32
    %sign3A_1528 = vector.broadcast %sign3A_1527 : i32 to vector<16xi32>
    %sign3A_1529 = arith.cmpi sgt, %add3A_1522, %sign3A_1528 : vector<16xi32>
    %sign3A_1530 = arith.extui %sign3A_1529 : vector<16xi1> to vector<16xi32>
    %sign3A_1531 = arith.constant 0 : i32
    %sign3A_1532 = vector.broadcast %sign3A_1531 : i32 to vector<16xi32>
    %sign3A_1533 = arith.cmpi slt, %add3A_1522, %sign3A_1532 : vector<16xi32>
    %sign3A_1534 = arith.extui %sign3A_1533 : vector<16xi1> to vector<16xi32>
    %sign3A_1535 = arith.subi %sign3A_1530, %sign3A_1534 : vector<16xi32>
    %sign3A_1536 = arith.constant 0 : i32
    %sign3A_1537 = arith.cmpi sgt, %convert_element_type3A_1524, %sign3A_1536 : i32
    %sign3A_1538 = arith.extui %sign3A_1537 : i1 to i32
    %sign3A_1539 = arith.constant 0 : i32
    %sign3A_1540 = arith.cmpi slt, %convert_element_type3A_1524, %sign3A_1539 : i32
    %sign3A_1541 = arith.extui %sign3A_1540 : i1 to i32
    %sign3A_1542 = arith.subi %sign3A_1538, %sign3A_1541 : i32
    %ne3A_1543 = vector.broadcast %sign3A_1542 : i32 to vector<16xi32>
    %ne3A_1544 = arith.cmpi ne, %sign3A_1535, %ne3A_1543 : vector<16xi32>
    %rem3A_1545 = vector.broadcast %convert_element_type3A_1524 : i32 to vector<16xi32>
    %rem3A_1546 = arith.remsi %add3A_1522, %rem3A_1545 : vector<16xi32>
    %ne3A_1547 = arith.constant 0 : i32
    %ne3A_1548 = vector.broadcast %ne3A_1547 : i32 to vector<16xi32>
    %ne3A_1549 = arith.cmpi ne, %rem3A_1546, %ne3A_1548 : vector<16xi32>
    %and3A_1550 = arith.andi %ne3A_1544, %ne3A_1549 : vector<16xi1>
    %sub3A_1551 = arith.constant 1 : i32
    %sub3A_1552 = vector.broadcast %sub3A_1551 : i32 to vector<16xi32>
    %sub3A_1553 = arith.subi %div3A_1526, %sub3A_1552 : vector<16xi32>
    %select_n3A_1554 = arith.select %and3A_1550, %sub3A_1553, %div3A_1526 : vector<16xi1>, vector<16xi32>
    %gather3A_1555 = tpu.vector_load_idx %arg6[%add3A_1450, %select_n3A_1554] : memref<64x256xi32, #tpu.memory_space<vmem>>[vector<16xi32>, vector<16xi32>], vector<16xi32>,
    %mul3A_1556 = arith.constant 5 : i32
    %mul3A_1557 = vector.broadcast %mul3A_1556 : i32 to vector<16xi32>
    %mul3A_1558 = arith.muli %add3A_1450, %mul3A_1557 : vector<16xi32>
    %add3A_1559 = arith.constant 1 : i32
    %add3A_1560 = vector.broadcast %add3A_1559 : i32 to vector<16xi32>
    %add3A_1561 = arith.addi %mul3A_1558, %add3A_1560 : vector<16xi32>
    %mul3A_1562 = arith.constant 128 : i32
    %mul3A_1563 = vector.broadcast %mul3A_1562 : i32 to vector<16xi32>
    %mul3A_1564 = arith.muli %gather3A_1555, %mul3A_1563 : vector<16xi32>
    %jit3A_1565 = arith.constant 128 : i64
    %convert_element_type3A_1566 = arith.trunci %jit3A_1565 : i64 to i32
    %eq3A_1567 = arith.constant 0 : i32
    %eq3A_1568 = arith.cmpi eq, %convert_element_type3A_1566, %eq3A_1567 : i32
    %jit3A_1569 = arith.constant 1 : i32
    %select_n3A_1570 = arith.select %eq3A_1568, %jit3A_1569, %convert_element_type3A_1566 : i32
    %rem3A_1571 = vector.broadcast %select_n3A_1570 : i32 to vector<16xi32>
    %rem3A_1572 = arith.remsi %add3A_1522, %rem3A_1571 : vector<16xi32>
    %ne3A_1573 = arith.constant 0 : i32
    %ne3A_1574 = vector.broadcast %ne3A_1573 : i32 to vector<16xi32>
    %ne3A_1575 = arith.cmpi ne, %rem3A_1572, %ne3A_1574 : vector<16xi32>
    %lt3A_1576 = arith.constant 0 : i32
    %lt3A_1577 = vector.broadcast %lt3A_1576 : i32 to vector<16xi32>
    %lt3A_1578 = arith.cmpi slt, %rem3A_1572, %lt3A_1577 : vector<16xi32>
    %lt3A_1579 = arith.constant 0 : i32
    %lt3A_1580 = arith.cmpi slt, %select_n3A_1570, %lt3A_1579 : i32
    %ne3A_1581 = vector.broadcast %lt3A_1580 : i1 to vector<16xi1>
    %ne3A_1582 = vector.broadcast %ne3A_1581 : vector<16xi1> to vector<16xi1>
    %ne3A_1583 = arith.xori %lt3A_1578, %ne3A_1582 : vector<16xi1>
    %and3A_1584 = arith.andi %ne3A_1583, %ne3A_1575 : vector<16xi1>
    %add3A_1585 = vector.broadcast %select_n3A_1570 : i32 to vector<16xi32>
    %add3A_1586 = arith.addi %rem3A_1572, %add3A_1585 : vector<16xi32>
    %select_n3A_1587 = arith.select %and3A_1584, %add3A_1586, %rem3A_1572 : vector<16xi1>, vector<16xi32>
    %add3A_1588 = arith.addi %mul3A_1564, %select_n3A_1587 : vector<16xi32>
    tpu.vector_store_idx %arg10[%add3A_1561], %add3A_1588 : memref<320xi32, #tpu.memory_space<vmem>>[vector<16xi32>], vector<16xi32>,
    %add3A_1589 = arith.constant 2 : i32
    %add3A_1590 = vector.broadcast %add3A_1589 : i32 to vector<16xi32>
    %add3A_1591 = arith.addi %add3A_313, %add3A_1590 : vector<16xi32>
    %jit3A_1592 = arith.constant 128 : i64
    %convert_element_type3A_1593 = arith.trunci %jit3A_1592 : i64 to i32
    %div3A_1594 = vector.broadcast %convert_element_type3A_1593 : i32 to vector<16xi32>
    %div3A_1595 = arith.divsi %add3A_1591, %div3A_1594 : vector<16xi32>
    %sign3A_1596 = arith.constant 0 : i32
    %sign3A_1597 = vector.broadcast %sign3A_1596 : i32 to vector<16xi32>
    %sign3A_1598 = arith.cmpi sgt, %add3A_1591, %sign3A_1597 : vector<16xi32>
    %sign3A_1599 = arith.extui %sign3A_1598 : vector<16xi1> to vector<16xi32>
    %sign3A_1600 = arith.constant 0 : i32
    %sign3A_1601 = vector.broadcast %sign3A_1600 : i32 to vector<16xi32>
    %sign3A_1602 = arith.cmpi slt, %add3A_1591, %sign3A_1601 : vector<16xi32>
    %sign3A_1603 = arith.extui %sign3A_1602 : vector<16xi1> to vector<16xi32>
    %sign3A_1604 = arith.subi %sign3A_1599, %sign3A_1603 : vector<16xi32>
    %sign3A_1605 = arith.constant 0 : i32
    %sign3A_1606 = arith.cmpi sgt, %convert_element_type3A_1593, %sign3A_1605 : i32
    %sign3A_1607 = arith.extui %sign3A_1606 : i1 to i32
    %sign3A_1608 = arith.constant 0 : i32
    %sign3A_1609 = arith.cmpi slt, %convert_element_type3A_1593, %sign3A_1608 : i32
    %sign3A_1610 = arith.extui %sign3A_1609 : i1 to i32
    %sign3A_1611 = arith.subi %sign3A_1607, %sign3A_1610 : i32
    %ne3A_1612 = vector.broadcast %sign3A_1611 : i32 to vector<16xi32>
    %ne3A_1613 = arith.cmpi ne, %sign3A_1604, %ne3A_1612 : vector<16xi32>
    %rem3A_1614 = vector.broadcast %convert_element_type3A_1593 : i32 to vector<16xi32>
    %rem3A_1615 = arith.remsi %add3A_1591, %rem3A_1614 : vector<16xi32>
    %ne3A_1616 = arith.constant 0 : i32
    %ne3A_1617 = vector.broadcast %ne3A_1616 : i32 to vector<16xi32>
    %ne3A_1618 = arith.cmpi ne, %rem3A_1615, %ne3A_1617 : vector<16xi32>
    %and3A_1619 = arith.andi %ne3A_1613, %ne3A_1618 : vector<16xi1>
    %sub3A_1620 = arith.constant 1 : i32
    %sub3A_1621 = vector.broadcast %sub3A_1620 : i32 to vector<16xi32>
    %sub3A_1622 = arith.subi %div3A_1595, %sub3A_1621 : vector<16xi32>
    %select_n3A_1623 = arith.select %and3A_1619, %sub3A_1622, %div3A_1595 : vector<16xi1>, vector<16xi32>
    %gather3A_1624 = tpu.vector_load_idx %arg6[%add3A_1450, %select_n3A_1623] : memref<64x256xi32, #tpu.memory_space<vmem>>[vector<16xi32>, vector<16xi32>], vector<16xi32>,
    %mul3A_1625 = arith.constant 5 : i32
    %mul3A_1626 = vector.broadcast %mul3A_1625 : i32 to vector<16xi32>
    %mul3A_1627 = arith.muli %add3A_1450, %mul3A_1626 : vector<16xi32>
    %add3A_1628 = arith.constant 2 : i32
    %add3A_1629 = vector.broadcast %add3A_1628 : i32 to vector<16xi32>
    %add3A_1630 = arith.addi %mul3A_1627, %add3A_1629 : vector<16xi32>
    %mul3A_1631 = arith.constant 128 : i32
    %mul3A_1632 = vector.broadcast %mul3A_1631 : i32 to vector<16xi32>
    %mul3A_1633 = arith.muli %gather3A_1624, %mul3A_1632 : vector<16xi32>
    %jit3A_1634 = arith.constant 128 : i64
    %convert_element_type3A_1635 = arith.trunci %jit3A_1634 : i64 to i32
    %eq3A_1636 = arith.constant 0 : i32
    %eq3A_1637 = arith.cmpi eq, %convert_element_type3A_1635, %eq3A_1636 : i32
    %jit3A_1638 = arith.constant 1 : i32
    %select_n3A_1639 = arith.select %eq3A_1637, %jit3A_1638, %convert_element_type3A_1635 : i32
    %rem3A_1640 = vector.broadcast %select_n3A_1639 : i32 to vector<16xi32>
    %rem3A_1641 = arith.remsi %add3A_1591, %rem3A_1640 : vector<16xi32>
    %ne3A_1642 = arith.constant 0 : i32
    %ne3A_1643 = vector.broadcast %ne3A_1642 : i32 to vector<16xi32>
    %ne3A_1644 = arith.cmpi ne, %rem3A_1641, %ne3A_1643 : vector<16xi32>
    %lt3A_1645 = arith.constant 0 : i32
    %lt3A_1646 = vector.broadcast %lt3A_1645 : i32 to vector<16xi32>
    %lt3A_1647 = arith.cmpi slt, %rem3A_1641, %lt3A_1646 : vector<16xi32>
    %lt3A_1648 = arith.constant 0 : i32
    %lt3A_1649 = arith.cmpi slt, %select_n3A_1639, %lt3A_1648 : i32
    %ne3A_1650 = vector.broadcast %lt3A_1649 : i1 to vector<16xi1>
    %ne3A_1651 = vector.broadcast %ne3A_1650 : vector<16xi1> to vector<16xi1>
    %ne3A_1652 = arith.xori %lt3A_1647, %ne3A_1651 : vector<16xi1>
    %and3A_1653 = arith.andi %ne3A_1652, %ne3A_1644 : vector<16xi1>
    %add3A_1654 = vector.broadcast %select_n3A_1639 : i32 to vector<16xi32>
    %add3A_1655 = arith.addi %rem3A_1641, %add3A_1654 : vector<16xi32>
    %select_n3A_1656 = arith.select %and3A_1653, %add3A_1655, %rem3A_1641 : vector<16xi1>, vector<16xi32>
    %add3A_1657 = arith.addi %mul3A_1633, %select_n3A_1656 : vector<16xi32>
    tpu.vector_store_idx %arg10[%add3A_1630], %add3A_1657 : memref<320xi32, #tpu.memory_space<vmem>>[vector<16xi32>], vector<16xi32>,
    %add3A_1658 = arith.constant 3 : i32
    %add3A_1659 = vector.broadcast %add3A_1658 : i32 to vector<16xi32>
    %add3A_1660 = arith.addi %add3A_313, %add3A_1659 : vector<16xi32>
    %jit3A_1661 = arith.constant 128 : i64
    %convert_element_type3A_1662 = arith.trunci %jit3A_1661 : i64 to i32
    %div3A_1663 = vector.broadcast %convert_element_type3A_1662 : i32 to vector<16xi32>
    %div3A_1664 = arith.divsi %add3A_1660, %div3A_1663 : vector<16xi32>
    %sign3A_1665 = arith.constant 0 : i32
    %sign3A_1666 = vector.broadcast %sign3A_1665 : i32 to vector<16xi32>
    %sign3A_1667 = arith.cmpi sgt, %add3A_1660, %sign3A_1666 : vector<16xi32>
    %sign3A_1668 = arith.extui %sign3A_1667 : vector<16xi1> to vector<16xi32>
    %sign3A_1669 = arith.constant 0 : i32
    %sign3A_1670 = vector.broadcast %sign3A_1669 : i32 to vector<16xi32>
    %sign3A_1671 = arith.cmpi slt, %add3A_1660, %sign3A_1670 : vector<16xi32>
    %sign3A_1672 = arith.extui %sign3A_1671 : vector<16xi1> to vector<16xi32>
    %sign3A_1673 = arith.subi %sign3A_1668, %sign3A_1672 : vector<16xi32>
    %sign3A_1674 = arith.constant 0 : i32
    %sign3A_1675 = arith.cmpi sgt, %convert_element_type3A_1662, %sign3A_1674 : i32
    %sign3A_1676 = arith.extui %sign3A_1675 : i1 to i32
    %sign3A_1677 = arith.constant 0 : i32
    %sign3A_1678 = arith.cmpi slt, %convert_element_type3A_1662, %sign3A_1677 : i32
    %sign3A_1679 = arith.extui %sign3A_1678 : i1 to i32
    %sign3A_1680 = arith.subi %sign3A_1676, %sign3A_1679 : i32
    %ne3A_1681 = vector.broadcast %sign3A_1680 : i32 to vector<16xi32>
    %ne3A_1682 = arith.cmpi ne, %sign3A_1673, %ne3A_1681 : vector<16xi32>
    %rem3A_1683 = vector.broadcast %convert_element_type3A_1662 : i32 to vector<16xi32>
    %rem3A_1684 = arith.remsi %add3A_1660, %rem3A_1683 : vector<16xi32>
    %ne3A_1685 = arith.constant 0 : i32
    %ne3A_1686 = vector.broadcast %ne3A_1685 : i32 to vector<16xi32>
    %ne3A_1687 = arith.cmpi ne, %rem3A_1684, %ne3A_1686 : vector<16xi32>
    %and3A_1688 = arith.andi %ne3A_1682, %ne3A_1687 : vector<16xi1>
    %sub3A_1689 = arith.constant 1 : i32
    %sub3A_1690 = vector.broadcast %sub3A_1689 : i32 to vector<16xi32>
    %sub3A_1691 = arith.subi %div3A_1664, %sub3A_1690 : vector<16xi32>
    %select_n3A_1692 = arith.select %and3A_1688, %sub3A_1691, %div3A_1664 : vector<16xi1>, vector<16xi32>
    %gather3A_1693 = tpu.vector_load_idx %arg6[%add3A_1450, %select_n3A_1692] : memref<64x256xi32, #tpu.memory_space<vmem>>[vector<16xi32>, vector<16xi32>], vector<16xi32>,
    %mul3A_1694 = arith.constant 5 : i32
    %mul3A_1695 = vector.broadcast %mul3A_1694 : i32 to vector<16xi32>
    %mul3A_1696 = arith.muli %add3A_1450, %mul3A_1695 : vector<16xi32>
    %add3A_1697 = arith.constant 3 : i32
    %add3A_1698 = vector.broadcast %add3A_1697 : i32 to vector<16xi32>
    %add3A_1699 = arith.addi %mul3A_1696, %add3A_1698 : vector<16xi32>
    %mul3A_1700 = arith.constant 128 : i32
    %mul3A_1701 = vector.broadcast %mul3A_1700 : i32 to vector<16xi32>
    %mul3A_1702 = arith.muli %gather3A_1693, %mul3A_1701 : vector<16xi32>
    %jit3A_1703 = arith.constant 128 : i64
    %convert_element_type3A_1704 = arith.trunci %jit3A_1703 : i64 to i32
    %eq3A_1705 = arith.constant 0 : i32
    %eq3A_1706 = arith.cmpi eq, %convert_element_type3A_1704, %eq3A_1705 : i32
    %jit3A_1707 = arith.constant 1 : i32
    %select_n3A_1708 = arith.select %eq3A_1706, %jit3A_1707, %convert_element_type3A_1704 : i32
    %rem3A_1709 = vector.broadcast %select_n3A_1708 : i32 to vector<16xi32>
    %rem3A_1710 = arith.remsi %add3A_1660, %rem3A_1709 : vector<16xi32>
    %ne3A_1711 = arith.constant 0 : i32
    %ne3A_1712 = vector.broadcast %ne3A_1711 : i32 to vector<16xi32>
    %ne3A_1713 = arith.cmpi ne, %rem3A_1710, %ne3A_1712 : vector<16xi32>
    %lt3A_1714 = arith.constant 0 : i32
    %lt3A_1715 = vector.broadcast %lt3A_1714 : i32 to vector<16xi32>
    %lt3A_1716 = arith.cmpi slt, %rem3A_1710, %lt3A_1715 : vector<16xi32>
    %lt3A_1717 = arith.constant 0 : i32
    %lt3A_1718 = arith.cmpi slt, %select_n3A_1708, %lt3A_1717 : i32
    %ne3A_1719 = vector.broadcast %lt3A_1718 : i1 to vector<16xi1>
    %ne3A_1720 = vector.broadcast %ne3A_1719 : vector<16xi1> to vector<16xi1>
    %ne3A_1721 = arith.xori %lt3A_1716, %ne3A_1720 : vector<16xi1>
    %and3A_1722 = arith.andi %ne3A_1721, %ne3A_1713 : vector<16xi1>
    %add3A_1723 = vector.broadcast %select_n3A_1708 : i32 to vector<16xi32>
    %add3A_1724 = arith.addi %rem3A_1710, %add3A_1723 : vector<16xi32>
    %select_n3A_1725 = arith.select %and3A_1722, %add3A_1724, %rem3A_1710 : vector<16xi1>, vector<16xi32>
    %add3A_1726 = arith.addi %mul3A_1702, %select_n3A_1725 : vector<16xi32>
    tpu.vector_store_idx %arg10[%add3A_1699], %add3A_1726 : memref<320xi32, #tpu.memory_space<vmem>>[vector<16xi32>], vector<16xi32>,
    %add3A_1727 = arith.constant 4 : i32
    %add3A_1728 = vector.broadcast %add3A_1727 : i32 to vector<16xi32>
    %add3A_1729 = arith.addi %add3A_313, %add3A_1728 : vector<16xi32>
    %jit3A_1730 = arith.constant 128 : i64
    %convert_element_type3A_1731 = arith.trunci %jit3A_1730 : i64 to i32
    %div3A_1732 = vector.broadcast %convert_element_type3A_1731 : i32 to vector<16xi32>
    %div3A_1733 = arith.divsi %add3A_1729, %div3A_1732 : vector<16xi32>
    %sign3A_1734 = arith.constant 0 : i32
    %sign3A_1735 = vector.broadcast %sign3A_1734 : i32 to vector<16xi32>
    %sign3A_1736 = arith.cmpi sgt, %add3A_1729, %sign3A_1735 : vector<16xi32>
    %sign3A_1737 = arith.extui %sign3A_1736 : vector<16xi1> to vector<16xi32>
    %sign3A_1738 = arith.constant 0 : i32
    %sign3A_1739 = vector.broadcast %sign3A_1738 : i32 to vector<16xi32>
    %sign3A_1740 = arith.cmpi slt, %add3A_1729, %sign3A_1739 : vector<16xi32>
    %sign3A_1741 = arith.extui %sign3A_1740 : vector<16xi1> to vector<16xi32>
    %sign3A_1742 = arith.subi %sign3A_1737, %sign3A_1741 : vector<16xi32>
    %sign3A_1743 = arith.constant 0 : i32
    %sign3A_1744 = arith.cmpi sgt, %convert_element_type3A_1731, %sign3A_1743 : i32
    %sign3A_1745 = arith.extui %sign3A_1744 : i1 to i32
    %sign3A_1746 = arith.constant 0 : i32
    %sign3A_1747 = arith.cmpi slt, %convert_element_type3A_1731, %sign3A_1746 : i32
    %sign3A_1748 = arith.extui %sign3A_1747 : i1 to i32
    %sign3A_1749 = arith.subi %sign3A_1745, %sign3A_1748 : i32
    %ne3A_1750 = vector.broadcast %sign3A_1749 : i32 to vector<16xi32>
    %ne3A_1751 = arith.cmpi ne, %sign3A_1742, %ne3A_1750 : vector<16xi32>
    %rem3A_1752 = vector.broadcast %convert_element_type3A_1731 : i32 to vector<16xi32>
    %rem3A_1753 = arith.remsi %add3A_1729, %rem3A_1752 : vector<16xi32>
    %ne3A_1754 = arith.constant 0 : i32
    %ne3A_1755 = vector.broadcast %ne3A_1754 : i32 to vector<16xi32>
    %ne3A_1756 = arith.cmpi ne, %rem3A_1753, %ne3A_1755 : vector<16xi32>
    %and3A_1757 = arith.andi %ne3A_1751, %ne3A_1756 : vector<16xi1>
    %sub3A_1758 = arith.constant 1 : i32
    %sub3A_1759 = vector.broadcast %sub3A_1758 : i32 to vector<16xi32>
    %sub3A_1760 = arith.subi %div3A_1733, %sub3A_1759 : vector<16xi32>
    %select_n3A_1761 = arith.select %and3A_1757, %sub3A_1760, %div3A_1733 : vector<16xi1>, vector<16xi32>
    %gather3A_1762 = tpu.vector_load_idx %arg6[%add3A_1450, %select_n3A_1761] : memref<64x256xi32, #tpu.memory_space<vmem>>[vector<16xi32>, vector<16xi32>], vector<16xi32>,
    %mul3A_1763 = arith.constant 5 : i32
    %mul3A_1764 = vector.broadcast %mul3A_1763 : i32 to vector<16xi32>
    %mul3A_1765 = arith.muli %add3A_1450, %mul3A_1764 : vector<16xi32>
    %add3A_1766 = arith.constant 4 : i32
    %add3A_1767 = vector.broadcast %add3A_1766 : i32 to vector<16xi32>
    %add3A_1768 = arith.addi %mul3A_1765, %add3A_1767 : vector<16xi32>
    %mul3A_1769 = arith.constant 128 : i32
    %mul3A_1770 = vector.broadcast %mul3A_1769 : i32 to vector<16xi32>
    %mul3A_1771 = arith.muli %gather3A_1762, %mul3A_1770 : vector<16xi32>
    %jit3A_1772 = arith.constant 128 : i64
    %convert_element_type3A_1773 = arith.trunci %jit3A_1772 : i64 to i32
    %eq3A_1774 = arith.constant 0 : i32
    %eq3A_1775 = arith.cmpi eq, %convert_element_type3A_1773, %eq3A_1774 : i32
    %jit3A_1776 = arith.constant 1 : i32
    %select_n3A_1777 = arith.select %eq3A_1775, %jit3A_1776, %convert_element_type3A_1773 : i32
    %rem3A_1778 = vector.broadcast %select_n3A_1777 : i32 to vector<16xi32>
    %rem3A_1779 = arith.remsi %add3A_1729, %rem3A_1778 : vector<16xi32>
    %ne3A_1780 = arith.constant 0 : i32
    %ne3A_1781 = vector.broadcast %ne3A_1780 : i32 to vector<16xi32>
    %ne3A_1782 = arith.cmpi ne, %rem3A_1779, %ne3A_1781 : vector<16xi32>
    %lt3A_1783 = arith.constant 0 : i32
    %lt3A_1784 = vector.broadcast %lt3A_1783 : i32 to vector<16xi32>
    %lt3A_1785 = arith.cmpi slt, %rem3A_1779, %lt3A_1784 : vector<16xi32>
    %lt3A_1786 = arith.constant 0 : i32
    %lt3A_1787 = arith.cmpi slt, %select_n3A_1777, %lt3A_1786 : i32
    %ne3A_1788 = vector.broadcast %lt3A_1787 : i1 to vector<16xi1>
    %ne3A_1789 = vector.broadcast %ne3A_1788 : vector<16xi1> to vector<16xi1>
    %ne3A_1790 = arith.xori %lt3A_1785, %ne3A_1789 : vector<16xi1>
    %and3A_1791 = arith.andi %ne3A_1790, %ne3A_1782 : vector<16xi1>
    %add3A_1792 = vector.broadcast %select_n3A_1777 : i32 to vector<16xi32>
    %add3A_1793 = arith.addi %rem3A_1779, %add3A_1792 : vector<16xi32>
    %select_n3A_1794 = arith.select %and3A_1791, %add3A_1793, %rem3A_1779 : vector<16xi1>, vector<16xi32>
    %add3A_1795 = arith.addi %mul3A_1771, %select_n3A_1794 : vector<16xi32>
    tpu.vector_store_idx %arg10[%add3A_1768], %add3A_1795 : memref<320xi32, #tpu.memory_space<vmem>>[vector<16xi32>], vector<16xi32>,
    %add3A_1796 = arith.constant 15360 : i32
    %add3A_1797 = arith.addi %add3A_1796, %mul3A_2 : i32
    %dma_start3A_1798 = tpu.memref_slice %arg4[%add3A_1797] : memref<20480xi32, #tpu.memory_space<hbm>> -> memref<320xi32, #tpu.memory_space<hbm>>
    %dma_start3A_1799 = tpu.memref_slice %arg4[%add3A_1797] : memref<20480xi32, #tpu.memory_space<hbm>> -> memref<320xi32, #tpu.memory_space<hbm>>
    tpu.enqueue_dma source(%arg10 : memref<320xi32, #tpu.memory_space<vmem>>) target(%dma_start3A_1799 : memref<320xi32, #tpu.memory_space<hbm>>) target_semaphore(%arg12 : memref<!tpu.dma_semaphore, #tpu.memory_space<semaphore_mem>>)
    %dma_wait3A_1800 = tpu.memref_slice %arg4[%add3A_395] : memref<20480xi32, #tpu.memory_space<hbm>> -> memref<320xi32, #tpu.memory_space<hbm>>
    %dma_wait3A_1801 = tpu.memref_slice %arg4[%add3A_395] : memref<20480xi32, #tpu.memory_space<hbm>> -> memref<320xi32, #tpu.memory_space<hbm>>
    tpu.wait_dma2 semaphore(%arg12 : memref<!tpu.dma_semaphore, #tpu.memory_space<semaphore_mem>>) src(%arg7 : memref<320xi32, #tpu.memory_space<vmem>>) dst(%dma_wait3A_1801 : memref<320xi32, #tpu.memory_space<hbm>>)
    %dma_wait3A_1802 = tpu.memref_slice %arg4[%add3A_399] : memref<20480xi32, #tpu.memory_space<hbm>> -> memref<320xi32, #tpu.memory_space<hbm>>
    %dma_wait3A_1803 = tpu.memref_slice %arg4[%add3A_399] : memref<20480xi32, #tpu.memory_space<hbm>> -> memref<320xi32, #tpu.memory_space<hbm>>
    tpu.wait_dma2 semaphore(%arg12 : memref<!tpu.dma_semaphore, #tpu.memory_space<semaphore_mem>>) src(%arg8 : memref<320xi32, #tpu.memory_space<vmem>>) dst(%dma_wait3A_1803 : memref<320xi32, #tpu.memory_space<hbm>>)
    %dma_wait3A_1804 = tpu.memref_slice %arg4[%add3A_403] : memref<20480xi32, #tpu.memory_space<hbm>> -> memref<320xi32, #tpu.memory_space<hbm>>
    %dma_wait3A_1805 = tpu.memref_slice %arg4[%add3A_403] : memref<20480xi32, #tpu.memory_space<hbm>> -> memref<320xi32, #tpu.memory_space<hbm>>
    tpu.wait_dma2 semaphore(%arg12 : memref<!tpu.dma_semaphore, #tpu.memory_space<semaphore_mem>>) src(%arg9 : memref<320xi32, #tpu.memory_space<vmem>>) dst(%dma_wait3A_1805 : memref<320xi32, #tpu.memory_space<hbm>>)
    %dma_wait3A_1806 = tpu.memref_slice %arg4[%add3A_1797] : memref<20480xi32, #tpu.memory_space<hbm>> -> memref<320xi32, #tpu.memory_space<hbm>>
    %dma_wait3A_1807 = tpu.memref_slice %arg4[%add3A_1797] : memref<20480xi32, #tpu.memory_space<hbm>> -> memref<320xi32, #tpu.memory_space<hbm>>
    tpu.wait_dma2 semaphore(%arg12 : memref<!tpu.dma_semaphore, #tpu.memory_space<semaphore_mem>>) src(%arg10 : memref<320xi32, #tpu.memory_space<vmem>>) dst(%dma_wait3A_1807 : memref<320xi32, #tpu.memory_space<hbm>>)
    return
  }
}

</mosaic_0001>

<sc_bundles>
// kernel: _advance.3.cloned.1.call-start
scs
__scs_entry_jumppad:
0x0: {  	(pc) =	sbr.rel $0x88, $3  }
0x1: {  	(tag) =	ssettag $0x0;
	lr =	simm.s32 $0x1  }
0x2: {  	[smem:$0x3F9F] =	sst lr;
	_ =	strace $0xD0000000  }
0x3: {  	_ = 	snop  }
0x4: {  	_ = 	snop  }
0x5: {  	_ = 	snop  }
0x6: {  	_ = 	snop  }
0x7: {  	_ = 	snop  }
__scs_overlays_trampoline_lowered:
0x8: {  	[smem:$0x3FAE] =	sst s0  }
0x9: {  	[smem:$0x3FAF] =	sst s1  }
0xa: {  	[smem:$0x3FB0] =	sst s2  }
0xb: {  	[smem:$0x3FB1] =	sst s3  }
0xc: {  	[smem:$0x3FB2] =	sst s4  }
0xd: {  	[smem:$0x3FB3] =	sst s5  }
0xe: {  	[smem:$0x3FB4] =	sst s6  }
0xf: {  	[smem:$0x3FB5] =	sst s7  }
0x10: {  	[smem:$0x3FB6] =	sst s8  }
0x11: {  	[smem:$0x3FB7] =	sst s9;
	s0 =	simm.s32 @!p0 $0x0  }
0x12: {  	s1 =	sld [smem:$0x3F9D];
	s0 =	simm.s32 @p0 $0x1  }
0x13: {  	[smem:$0x3FB8] =	sst s0;
	s0 =	simm.s32 @!p1 $0x0  }
0x14: {  	s2 =	sld [smem:$0x3F9C];
	s0 =	simm.s32 @p1 $0x1  }
0x15: {  	[smem:$0x3FB9] =	sst s0;
	s0 =	simm.s32 @!p2 $0x0  }
0x16: {  	s3 =	sld [smem:$0x3FDB];
	s0 =	simm.s32 @p2 $0x1  }
0x17: {  	s4 =	simm.s32 $0x1BF5;
	[smem:$0x3FBB] =	sst s0  }
0x18: {  	s0 =	sld [smem:$0x3F9E];
	_ =	swait.ge [sflag:s4], $0x0  }
0x19: {  	s7 =	sld [smem:$0x3F9F]  }
0x1a: {  	s8 =	sadd.s32 $0xFFFFE003, lr  }
0x1b: {  	s9 =	sadd.s32 $0xFFFFFEF7, lr;
	s5 =	simm.s32 $0xFFFFFFFF;
	p2 =	slt.u32 s8, $0xFFFFF086  }
0x1c: {  	p1 =	slt.u32 s9, $0xF7A;
	s5 =	simm.s32 @!p2 $0x0  }
0x1d: {  	s5 =	simm.s32 @p1 $0x1;
	p0 =	seq.s32 s7, s2  }
0x1e: {  	s7 =	smul.u32 @!p0 $0xF7A, s2;
	p2 =	seq.s32 @!p0 s5, $0x0  }
0x1f: {  	s9 =	smul.u32 $0xF7A, s1;
	s8 =	simm.s32 @!p0 $0x1BF5;
	p2 =	por !p2, p0  }
0x20: {  	[sflag:s8] =	ssyncset.s32 @!p0 $0xFFFFF086;
	s6 =	sadd.s32 @!p0 s3, s7;
	s7 =	simm.s32 @!p0 $0x108  }
0x21: {  	s3 =	sadd.s32 s3, s9;
	s6 =	sadd.s32 @!p0 $0x88, s6;
	s7 =	simm.s32 @p2 $0x1082  }
0x22: {  	[simem:s7], [sflag:s8] =	dma.local @!p0 [hbm:s6], $0xF7A  }
0x23: {  	s9 =	sor.u32 $0xD0000000, s2;
	s6 =	simm.s32 $0x108;
	_ =	swait.ge @!p0 [sflag:s8], $0x0  }
0x24: {  	s3 =	sadd.s32 $0x88, s3;
	s6 =	simm.s32 @!p1 $0x1082;
	[sflag:s4] =	ssyncset.s32 $0xFFFFF086  }
0x25: {  	[simem:s6], [sflag:s4] =	dma.local [hbm:s3], $0xF7A  }
0x26: {  	[smem:$0x3F9F] =	sst s1;
	(tag) =	ssettag s2;
	_ =	strace s9  }
0x27: {  	s1 =	sld [smem:$0x3FAF]  }
0x28: {  	s2 =	sld [smem:$0x3FB0]  }
0x29: {  	s4 =	sld [smem:$0x3FB2]  }
0x2a: {  	p0 =	seq.s32 s5, $0x0;
	s5 =	sld [smem:$0x3FB3]  }
0x2b: {  	s6 =	sld [smem:$0x3FB4]  }
0x2c: {  	s7 =	sld [smem:$0x3FB5]  }
0x2d: {  	s3 =	simm.s32 $0x108;
	s8 =	sld [smem:$0x3FB6]  }
0x2e: {  	s3 =	simm.s32 @!p0 $0x1082;
	s9 =	sld [smem:$0x3FB7]  }
0x2f: {  	lr =	sadd.s32 s0, s3;
	s0 =	sld [smem:$0x3FAE]  }
0x30: {  	s3 =	sld [smem:$0x3FB1]  }
0x31: {  	[smem:$0x3FBA] =	sst s10  }
0x32: {  	s10 =	sld [smem:$0x3FB8];
	_ =	sdelay $0x3  }
0x33: {  	p0 =	seq.s32 s10, $0x1;
	s10 =	sld [smem:$0x3FBA];
	_ =	sdelay $0x3  }
0x34: {  	[smem:$0x3FBA] =	sst s10  }
0x35: {  	s10 =	sld [smem:$0x3FB9];
	_ =	sdelay $0x3  }
0x36: {  	p1 =	seq.s32 s10, $0x1;
	s10 =	sld [smem:$0x3FBA];
	_ =	sdelay $0x3  }
0x37: {  	[smem:$0x3FBA] =	sst s10  }
0x38: {  	s10 =	sld [smem:$0x3FBB]  }
0x39: {  	_ = 	snop;
	(pc) =	sbr.ind lr, $3  }
0x3a: {  	_ = 	snop  }
0x3b: {  	_ = 	snop  }
0x3c: {  	p2 =	seq.s32 s10, $0x1;
	s10 =	sld [smem:$0x3FBA]  }
0x3d: {  	_ =	shalt  }
0x3e: {  	_ =	shalt  }
0x3f: {  	_ =	shalt  }
0x40: {  	_ =	shalt  }
0x41: {  	_ =	shalt  }
0x42: {  	_ =	shalt  }
0x43: {  	_ =	shalt  }
0x44: {  	_ =	shalt  }
0x45: {  	_ =	shalt  }
0x46: {  	_ =	shalt  }
0x47: {  	_ =	shalt  }
0x48: {  	_ =	shalt  }
0x49: {  	_ =	shalt  }
0x4a: {  	_ =	shalt  }
0x4b: {  	_ =	shalt  }
0x4c: {  	_ =	shalt  }
0x4d: {  	_ =	shalt  }
0x4e: {  	_ =	shalt  }
0x4f: {  	_ =	shalt  }
0x50: {  	_ =	shalt  }
0x51: {  	_ =	shalt  }
0x52: {  	_ =	shalt  }
0x53: {  	_ =	shalt  }
0x54: {  	_ =	shalt  }
0x55: {  	_ =	shalt  }
0x56: {  	_ =	shalt  }
0x57: {  	_ =	shalt  }
0x58: {  	_ =	shalt  }
0x59: {  	_ =	shalt  }
0x5a: {  	_ =	shalt  }
0x5b: {  	_ =	shalt  }
0x5c: {  	_ =	shalt  }
0x5d: {  	_ =	shalt  }
0x5e: {  	_ =	shalt  }
0x5f: {  	_ =	shalt  }
0x60: {  	_ =	shalt  }
0x61: {  	_ =	shalt  }
0x62: {  	_ =	shalt  }
0x63: {  	_ =	shalt  }
0x64: {  	_ =	shalt  }
0x65: {  	_ =	shalt  }
0x66: {  	_ =	shalt  }
0x67: {  	_ =	shalt  }
0x68: {  	_ =	shalt  }
0x69: {  	_ =	shalt  }
0x6a: {  	_ =	shalt  }
0x6b: {  	_ =	shalt  }
0x6c: {  	_ =	shalt  }
0x6d: {  	_ =	shalt  }
0x6e: {  	_ =	shalt  }
0x6f: {  	_ =	shalt  }
0x70: {  	_ =	shalt  }
0x71: {  	_ =	shalt  }
0x72: {  	_ =	shalt  }
0x73: {  	_ =	shalt  }
0x74: {  	_ =	shalt  }
0x75: {  	_ =	shalt  }
0x76: {  	_ =	shalt  }
0x77: {  	_ =	shalt  }
0x78: {  	_ =	shalt  }
0x79: {  	_ =	shalt  }
0x7a: {  	_ =	shalt  }
0x7b: {  	_ =	shalt  }
0x7c: {  	_ =	shalt  }
0x7d: {  	_ =	shalt  }
0x7e: {  	_ =	shalt  }
0x7f: {  	_ =	shalt  }
0x80: {  	_ =	shalt  }
0x81: {  	_ =	shalt  }
0x82: {  	_ =	shalt  }
0x83: {  	_ =	shalt  }
0x84: {  	_ =	shalt  }
0x85: {  	_ =	shalt  }
0x86: {  	_ =	shalt  }
0x87: {  	_ =	shalt  }
.Lfunc_end0:
.L_simem_size_0:
called_computation_lowered:
.L_overlay_start_0:
0x88: {  	s0 =	sld [smem:$0x3FD9]  }
0x89: {  	s1 =	sld [smem:$0x3FFE];
	_ =	sdelay $0x3  }
0x8a: {  	s0 =	sadd.s32 s1, s0  }
0x8b: {  	[smem:$0x3FC6] =	sst s0  }
0x8c: {  	_ = 	snop  }
0x8d: {  	s0 =	sld [smem:$0x3FC8]  }
0x8e: {  	s16 =	sld [smem:$0x3FD0];
	(tm) =	ssettm $0x1  }
0x8f: {  	s2 =	sld [smem:$0x3FFB];
	_ =	sdelay $0x3  }
0x90: {  	_ =	strace s2  }
0x91: {  	s2 =	sld [smem:$0x3FFC];
	_ =	sdelay $0x3  }
0x92: {  	_ =	strace s2  }
0x93: {  	s2 =	sld [smem:$0x3FFD];
	_ =	sdelay $0x3  }
0x94: {  	_ =	strace s2  }
0x95: {  	_ =	strace $0x8FFFFFFF  }
0x96: {  	s17 =	sld [smem:$0x3FDB];
	_ =	sdelay $0x1  }
0x97: {  	s3 =	simm.s32 $_scs_section_size  }
0x98: {  	s4 =	simm.s32 $_size__tile_overlayer_lowered;
	s5 =	simm.s32 $_tile_overlayer_lowered  }
0x99: {  	s20 =	simm.s32 $0x1BFF;
	s19 =	sshll.u32 s5, $0x1;
	s2 =	sadd.s32 s3, s17  }
0x9a: {  	s6 =	simm.s32 $0x0;
	s18 =	sshll.u32 s4, $0x1;
	s4 =	sadd.s32 s19, s2  }
0x9b: {  	[timem:s6], [sflag:s20] =	dma.local [hbm:s4], s18  }
0x9c: {  	_ =	swait.ge [sflag:s20], s18  }
0x9d: {  	s3 =	ssub.s32 $0x0, s18;
	[sflag:s20] =	ssyncset.done $0x0  }
0x9e: {  	[sflag:s20] =	ssyncadd.s32 s3;
	_ =	sdelay $0x1  }
0x9f: {  	s21 =	simm.s32 $0x1B8B  }
0xa0: {  	_ =	swait.ge [sflag:s21], $0x1  }
0xa1: {  	[sflag:s21] =	ssyncset.done $0x0  }
0xa2: {  	s23 =	simm.s32 $0x1B8E;
	s22 =	sld [smem:$0x3FFE];
	[sflag:s21] =	ssyncadd.s32 $0xFFFFFFFF  }
0xa3: {  	s24 =	simm.s32 $execute0_lowered;
	[smem:$0x3FD2] =	sst s23  }
0xa4: {  	s4 =	sshll.u32 s24, $0x1;
	_ =	strace $0x80000046;
	[dreg:$0x1] =	wrdreg $0xFFFFFFFF  }
0xa5: {  	s25 =	simm.s32 $_size_execute0_lowered;
	s2 =	sadd.s32 s2, s4;
	[dreg:$0x0] =	wrdreg $0x0  }
0xa6: {  	s4 =	sshll.u32 s25, $0x1;
	[dreg:$0x2] =	wrdreg s2  }
0xa7: {  	[dreg:$0x3] =	wrdreg s4  }
0xa8: {  	[dreg:$0x4] =	wrdreg $0xC0  }
0xa9: {  	_ =	task [dreg:s6], $0x5FFFF  }
0xaa: {  	[dreg:$0x1] =	wrdreg $0xFFFFFFFF  }
0xab: {  	[dreg:$0x0] =	wrdreg $0x60  }
0xac: {  	[dreg:$0x2] =	wrdreg s22  }
0xad: {  	[dreg:$0x3] =	wrdreg s0  }
0xae: {  	[dreg:$0x4] =	wrdreg s16  }
0xaf: {  	[dreg:$0x5] =	wrdreg $0x9  }
0xb0: {  	_ =	task.clear_ibuf [dreg:s6], $0x6FFFF;
	_ =	strace $0x90000046  }
0xb1: {  	s26 =	simm.s32 $0x9;
	_ =	strace $0x80000048  }
0xb2: {  	_ =	swait.ge [sflag:s26], $0x1  }
0xb3: {  	[sflag:s26] =	ssyncadd.s32 $0xFFFFFFFF  }
0xb4: {  	_ =	strace $0x90000048  }
0xb5: {  	_ =	sfence  }
0xb6: {  	s28 =	sld [smem:$0x0];
	_ =	sdelay $0x1  }
0xb7: {  	s29 =	srdreg.scid  }
0xb8: {  	s30 =	sshll.u32 s29, $0xD;
	s31 =	sshrl.u32 s29, $0x2  }
0xb9: {  	s1 =	sand.u32 $0x1, s29;
	s2 =	sand.u32 $0x4000, s30;
	s0 =	sadd.s32 s31, s28  }
0xba: {  	s1 =	sor.u32 s2, s1;
	s0 =	sshll.u32 s0, $0x11  }
0xbb: {  	s0 =	sor.u32 s0, s1  }
0xbc: {  	s0 =	sadd.s32 $0x8F2B, s0  }
0xbd: {  	[sflag:s0] =	ssyncadd.remote.s32 $0x1  }
0xbe: {  	_ =	sfence.sel $0xFFFF  }
0xbf: {  	[dreg:$0x0] =	wrdreg $0xFFFFFFFF;
	(pc) =	sbr.abs _section_cstart, $3  }
0xc0: {  	[dreg:$0x1] =	wrdreg $0xFFFFFFFF  }
0xc1: {  	_ =	task.clear_ibuf [dreg:s6], $0x2FFFF;
	_ =	strace $0x9FFFFFFF  }
0xc2: {  	(tm) =	ssettm $0x7FFFFFFF  }
0xc3: {  	_ =	shalt  }
tec
execute0_lowered:
.L_overlay_start_1:
0x0: {  	(tag) =	ssettag $0x1  }
0x1: {  	s3 =	rddreg [dreg:$0x0]  }
0x2: {  	s5 =	rddreg [dreg:$0x1]  }
0x3: {  	s4 =	rddreg [dreg:$0x2];
	s1 =	stileid.u32  }
0x4: {  	s0 =	rddreg [dreg:$0x3];
	s2 =	simm.s32 $0x0;
	s6 =	sshll.u32 s1, $0xA  }
0x5: {  	v1 =	vlaneseq.u32;
	[smem:$0x7FF] =	sst s2;
	s3 =	sadd.s32 s6, s3  }
0x6: {  	s22 =	sshll.u32 s1, $0xB;
	v0 =	vmul.u32 $0x80, v1;
	_ =	strace $0x80000047;
	s3 =	sadd.s32 $0x400, s3  }
0x7: {  	[tilespmem:s2], [sflag:$0x1] =	stream.linear.gather [hbm4b:s3+s2], $0x2000, $0x38;
	[tilespmem:$0x6600] =	vst v63  }
0x8: {  	s23 =	simm.s32 $0x2000;
	s24 =	simm.s32 $0x1;
	s5 =	sadd.s32 s5, s22;
	v2 =	vor.u32 $0xA, v0  }
0x9: {  	[tilespmem:s23], [sflag:$0x1] =	stream.linear.gather [hbm4b:s5+s2], $0x4000, $0x38;
	[tilespmem:$0x6600] =	vst v63  }
0xa: {  	_ =	swait.ge [sflag:s24], $0x2000  }
0xb: {  	[sflag:s24] =	ssyncset.done $0x0  }
0xc: {  	[sflag:s24] =	ssyncadd.s32 $0xFFFFE000  }
0xd: {  	v2 =	vld.idx.msk [tilespmem:v2+s2+$0x0], $0xffff;
	_ =	sdelay $0x3  }
0xe: {  	v3 =	vor.u32 $0x9, v0;
	v4 =	vadd.s32 $0xFFFFFFFF, v0  }
0xf: {  	v4 =	vadd.s32 v4, v2;
	_ =	sdelay $0x3  }
0x10: {  	v39 =	vmul.u32 $0x5, v1;
	v3 =	vld.idx.msk [tilespmem:v3+s2+$0x0], $0xffff  }
0x11: {  	v45 =	vld.idx.msk [tilespmem:v4+s2+$0x0], $0xffff;
	_ =	sdelay $0x2  }
0x12: {  	v46 =	vor.u32 $0x5, v0  }
0x13: {  	s8 =	simm.s32 $0x6000  }
0x14: {  	s7 =	simm.s32 $0x6180;
	v40 =	vadd.s32 v3, v2;
	[tilespmem:v39+s8+$0x0] =	vst.idx.msk $0xffff, v45  }
0x15: {  	s25 =	simm.s32 $0x6300;
	v38 =	vadd.s32 $0x1, v40;
	[tilespmem:v39+s7+$0x0] =	vst.idx.msk $0xffff, v40  }
0x16: {  	[tilespmem:v39+s25+$0x0] =	vst.idx.msk $0xffff, v38  }
0x17: {  	v37 =	vadd.s32 $0x1, v39;
	v1 =	vld.idx.msk [tilespmem:v46+s2+$0x0], $0xffff;
	_ =	sdelay $0x2  }
0x18: {  	v47 =	vor.u32 $0x6, v0;
	_ =	sdelay $0x1  }
0x19: {  	[tilespmem:v37+s8+$0x0] =	vst.idx.msk $0xffff, v1  }
0x1a: {  	v36 =	vadd.s32 $0x2, v40;
	[tilespmem:v37+s7+$0x0] =	vst.idx.msk $0xffff, v38  }
0x1b: {  	[tilespmem:v37+s25+$0x0] =	vst.idx.msk $0xffff, v36  }
0x1c: {  	v35 =	vadd.s32 $0x2, v39;
	v1 =	vld.idx.msk [tilespmem:v47+s2+$0x0], $0xffff;
	_ =	sdelay $0x2  }
0x1d: {  	v48 =	vor.u32 $0x7, v0;
	_ =	sdelay $0x1  }
0x1e: {  	[tilespmem:v35+s8+$0x0] =	vst.idx.msk $0xffff, v1  }
0x1f: {  	v34 =	vadd.s32 $0x3, v40;
	[tilespmem:v35+s7+$0x0] =	vst.idx.msk $0xffff, v36  }
0x20: {  	[tilespmem:v35+s25+$0x0] =	vst.idx.msk $0xffff, v34  }
0x21: {  	v33 =	vadd.s32 $0x3, v39;
	v1 =	vld.idx.msk [tilespmem:v48+s2+$0x0], $0xffff;
	_ =	sdelay $0x2  }
0x22: {  	v49 =	vor.u32 $0x8, v0;
	_ =	sdelay $0x1  }
0x23: {  	[tilespmem:v33+s8+$0x0] =	vst.idx.msk $0xffff, v1  }
0x24: {  	v32 =	vadd.s32 $0x4, v40;
	[tilespmem:v33+s7+$0x0] =	vst.idx.msk $0xffff, v34  }
0x25: {  	[tilespmem:v33+s25+$0x0] =	vst.idx.msk $0xffff, v32  }
0x26: {  	v31 =	vadd.s32 $0x4, v39;
	v1 =	vld.idx.msk [tilespmem:v49+s2+$0x0], $0xffff;
	_ =	sdelay $0x2  }
0x27: {  	v50 =	vor.u32 $0x80A, v0;
	_ =	sdelay $0x1  }
0x28: {  	[tilespmem:v31+s8+$0x0] =	vst.idx.msk $0xffff, v1  }
0x29: {  	v51 =	vadd.s32 $0x5, v40;
	[tilespmem:v31+s7+$0x0] =	vst.idx.msk $0xffff, v32  }
0x2a: {  	[tilespmem:v31+s25+$0x0] =	vst.idx.msk $0xffff, v51  }
0x2b: {  	v1 =	vld.idx.msk [tilespmem:v50+s2+$0x0], $0xffff;
	_ =	sdelay $0x3  }
0x2c: {  	v52 =	vor.u32 $0x809, v0;
	v53 =	vadd.s32 $0x7FF, v0  }
0x2d: {  	v3 =	vadd.s32 v53, v1;
	_ =	sdelay $0x3  }
0x2e: {  	v2 =	vld.idx.msk [tilespmem:v52+s2+$0x0], $0xffff  }
0x2f: {  	v29 =	vadd.s32 $0x50, v39;
	v3 =	vld.idx.msk [tilespmem:v3+s2+$0x0], $0xffff;
	_ =	sdelay $0x2  }
0x30: {  	v54 =	vor.u32 $0x805, v0;
	_ =	sdelay $0x1  }
0x31: {  	v30 =	vadd.s32 v2, v1;
	[tilespmem:v29+s8+$0x0] =	vst.idx.msk $0xffff, v3  }
0x32: {  	v28 =	vadd.s32 $0x1, v30;
	[tilespmem:v29+s7+$0x0] =	vst.idx.msk $0xffff, v30  }
0x33: {  	[tilespmem:v29+s25+$0x0] =	vst.idx.msk $0xffff, v28  }
0x34: {  	v27 =	vadd.s32 $0x51, v39;
	v55 =	vld.idx.msk [tilespmem:v54+s2+$0x0], $0xffff;
	_ =	sdelay $0x2  }
0x35: {  	v56 =	vor.u32 $0x806, v0;
	_ =	sdelay $0x1  }
0x36: {  	[tilespmem:v27+s8+$0x0] =	vst.idx.msk $0xffff, v55  }
0x37: {  	v25 =	vadd.s32 $0x2, v30;
	[tilespmem:v27+s7+$0x0] =	vst.idx.msk $0xffff, v28  }
0x38: {  	[tilespmem:v27+s25+$0x0] =	vst.idx.msk $0xffff, v25  }
0x39: {  	v26 =	vadd.s32 $0x52, v39;
	v1 =	vld.idx.msk [tilespmem:v56+s2+$0x0], $0xffff;
	_ =	sdelay $0x2  }
0x3a: {  	v57 =	vor.u32 $0x807, v0;
	_ =	sdelay $0x1  }
0x3b: {  	[tilespmem:v26+s8+$0x0] =	vst.idx.msk $0xffff, v1  }
0x3c: {  	v24 =	vadd.s32 $0x3, v30;
	[tilespmem:v26+s7+$0x0] =	vst.idx.msk $0xffff, v25  }
0x3d: {  	[tilespmem:v26+s25+$0x0] =	vst.idx.msk $0xffff, v24  }
0x3e: {  	v23 =	vadd.s32 $0x53, v39;
	v1 =	vld.idx.msk [tilespmem:v57+s2+$0x0], $0xffff;
	_ =	sdelay $0x2  }
0x3f: {  	v58 =	vor.u32 $0x808, v0;
	_ =	sdelay $0x1  }
0x40: {  	[tilespmem:v23+s8+$0x0] =	vst.idx.msk $0xffff, v1  }
0x41: {  	v22 =	vadd.s32 $0x4, v30;
	[tilespmem:v23+s7+$0x0] =	vst.idx.msk $0xffff, v24  }
0x42: {  	[tilespmem:v23+s25+$0x0] =	vst.idx.msk $0xffff, v22  }
0x43: {  	v21 =	vadd.s32 $0x54, v39;
	v1 =	vld.idx.msk [tilespmem:v58+s2+$0x0], $0xffff;
	_ =	sdelay $0x2  }
0x44: {  	v59 =	vor.u32 $0x100A, v0;
	_ =	sdelay $0x1  }
0x45: {  	[tilespmem:v21+s8+$0x0] =	vst.idx.msk $0xffff, v1  }
0x46: {  	v60 =	vadd.s32 $0x5, v30;
	[tilespmem:v21+s7+$0x0] =	vst.idx.msk $0xffff, v22  }
0x47: {  	[tilespmem:v21+s25+$0x0] =	vst.idx.msk $0xffff, v60  }
0x48: {  	v1 =	vld.idx.msk [tilespmem:v59+s2+$0x0], $0xffff;
	_ =	sdelay $0x3  }
0x49: {  	v61 =	vor.u32 $0x1009, v0;
	v62 =	vadd.s32 $0xFFF, v0  }
0x4a: {  	v3 =	vadd.s32 v62, v1;
	_ =	sdelay $0x3  }
0x4b: {  	v2 =	vld.idx.msk [tilespmem:v61+s2+$0x0], $0xffff  }
0x4c: {  	v19 =	vadd.s32 $0xA0, v39;
	v3 =	vld.idx.msk [tilespmem:v3+s2+$0x0], $0xffff;
	_ =	sdelay $0x2  }
0x4d: {  	v63 =	vor.u32 $0x1005, v0;
	_ =	sdelay $0x1  }
0x4e: {  	v20 =	vadd.s32 v2, v1;
	[tilespmem:v19+s8+$0x0] =	vst.idx.msk $0xffff, v3  }
0x4f: {  	v18 =	vadd.s32 $0x1, v20;
	[tilespmem:v19+s7+$0x0] =	vst.idx.msk $0xffff, v20  }
0x50: {  	[tilespmem:v19+s25+$0x0] =	vst.idx.msk $0xffff, v18  }
0x51: {  	v17 =	vadd.s32 $0xA1, v39;
	v4 =	vld.idx.msk [tilespmem:v63+s2+$0x0], $0xffff;
	_ =	sdelay $0x2  }
0x52: {  	v5 =	vor.u32 $0x1006, v0;
	_ =	sdelay $0x1  }
0x53: {  	[tilespmem:v17+s8+$0x0] =	vst.idx.msk $0xffff, v4  }
0x54: {  	v16 =	vadd.s32 $0x2, v20;
	[tilespmem:v17+s7+$0x0] =	vst.idx.msk $0xffff, v18  }
0x55: {  	[tilespmem:v17+s25+$0x0] =	vst.idx.msk $0xffff, v16  }
0x56: {  	v15 =	vadd.s32 $0xA2, v39;
	v1 =	vld.idx.msk [tilespmem:v5+s2+$0x0], $0xffff;
	_ =	sdelay $0x2  }
0x57: {  	v6 =	vor.u32 $0x1007, v0;
	_ =	sdelay $0x1  }
0x58: {  	[tilespmem:v15+s8+$0x0] =	vst.idx.msk $0xffff, v1  }
0x59: {  	v14 =	vadd.s32 $0x3, v20;
	[tilespmem:v15+s7+$0x0] =	vst.idx.msk $0xffff, v16  }
0x5a: {  	[tilespmem:v15+s25+$0x0] =	vst.idx.msk $0xffff, v14  }
0x5b: {  	v13 =	vadd.s32 $0xA3, v39;
	v1 =	vld.idx.msk [tilespmem:v6+s2+$0x0], $0xffff;
	_ =	sdelay $0x2  }
0x5c: {  	v7 =	vor.u32 $0x1008, v0;
	_ =	sdelay $0x1  }
0x5d: {  	[tilespmem:v13+s8+$0x0] =	vst.idx.msk $0xffff, v1  }
0x5e: {  	v11 =	vadd.s32 $0x4, v20;
	[tilespmem:v13+s7+$0x0] =	vst.idx.msk $0xffff, v14  }
0x5f: {  	[tilespmem:v13+s25+$0x0] =	vst.idx.msk $0xffff, v11  }
0x60: {  	v10 =	vadd.s32 $0xA4, v39;
	v1 =	vld.idx.msk [tilespmem:v7+s2+$0x0], $0xffff;
	_ =	sdelay $0x2  }
0x61: {  	v9 =	vor.u32 $0x180A, v0;
	_ =	sdelay $0x1  }
0x62: {  	[tilespmem:v10+s8+$0x0] =	vst.idx.msk $0xffff, v1  }
0x63: {  	v12 =	vadd.s32 $0x5, v20;
	[tilespmem:v10+s7+$0x0] =	vst.idx.msk $0xffff, v11  }
0x64: {  	[tilespmem:v10+s25+$0x0] =	vst.idx.msk $0xffff, v12  }
0x65: {  	v1 =	vld.idx.msk [tilespmem:v9+s2+$0x0], $0xffff;
	_ =	sdelay $0x3  }
0x66: {  	v41 =	vor.u32 $0x1809, v0;
	v42 =	vadd.s32 $0x17FF, v0  }
0x67: {  	v3 =	vadd.s32 v42, v1;
	_ =	sdelay $0x3  }
0x68: {  	v2 =	vld.idx.msk [tilespmem:v41+s2+$0x0], $0xffff  }
0x69: {  	v8 =	vadd.s32 $0xF0, v39;
	v3 =	vld.idx.msk [tilespmem:v3+s2+$0x0], $0xffff;
	_ =	sdelay $0x2  }
0x6a: {  	v43 =	vor.u32 $0x1805, v0;
	_ =	sdelay $0x1  }
0x6b: {  	v9 =	vadd.s32 v2, v1;
	[tilespmem:v8+s8+$0x0] =	vst.idx.msk $0xffff, v3  }
0x6c: {  	v7 =	vadd.s32 $0x1, v9;
	[tilespmem:v8+s7+$0x0] =	vst.idx.msk $0xffff, v9  }
0x6d: {  	[tilespmem:v8+s25+$0x0] =	vst.idx.msk $0xffff, v7  }
0x6e: {  	v6 =	vadd.s32 $0xF1, v39;
	v44 =	vld.idx.msk [tilespmem:v43+s2+$0x0], $0xffff;
	_ =	sdelay $0x2  }
0x6f: {  	v45 =	vor.u32 $0x1806, v0;
	_ =	sdelay $0x1  }
0x70: {  	[tilespmem:v6+s8+$0x0] =	vst.idx.msk $0xffff, v44  }
0x71: {  	v5 =	vadd.s32 $0x2, v9;
	[tilespmem:v6+s7+$0x0] =	vst.idx.msk $0xffff, v7  }
0x72: {  	[tilespmem:v6+s25+$0x0] =	vst.idx.msk $0xffff, v5  }
0x73: {  	v4 =	vadd.s32 $0xF2, v39;
	v1 =	vld.idx.msk [tilespmem:v45+s2+$0x0], $0xffff;
	_ =	sdelay $0x2  }
0x74: {  	v46 =	vor.u32 $0x1807, v0;
	_ =	sdelay $0x1  }
0x75: {  	[tilespmem:v4+s8+$0x0] =	vst.idx.msk $0xffff, v1  }
0x76: {  	v2 =	vadd.s32 $0x3, v9;
	[tilespmem:v4+s7+$0x0] =	vst.idx.msk $0xffff, v5  }
0x77: {  	[tilespmem:v4+s25+$0x0] =	vst.idx.msk $0xffff, v2  }
0x78: {  	vm5 =	vcmask $0x300;
	vm12 =	vcmask $0x704;
	v3 =	vadd.s32 $0xF3, v39;
	v12 =	vld.idx.msk [tilespmem:v46+s2+$0x0], $0xffff  }
0x79: {  	vm4 =	vcmask $0xB08;
	vm14 =	vcmask $0xF0C;
	vm0 =	vcmask $0x1310  }
0x7a: {  	vm11 =	vcmask $0x1714;
	vm13 =	vcmask $0x1B18;
	vm15 =	vcmask $0x1F1C  }
0x7b: {  	vm9 =	vcmask $0x2724;
	v41 =	vor.u32 $0x1808, v0;
	v44 =	vimm.s32 $0xB80  }
0x7c: {  	vm10 =	vcmask $0x2B28;
	vm8 =	vcmask $0x2F2C;
	v44 =	vsel vm5, $0x0, v44  }
0x7d: {  	vm7 =	vcmask $0x3330;
	vm6 =	vcmask $0x3734;
	v44 =	vsel vm12, $0x80, v44;
	[tilespmem:v3+s8+$0x0] =	vst.idx.msk $0xffff, v12  }
0x7e: {  	v43 =	vshra.s32 v40, $0x1F;
	v47 =	vsel vm4, $0x100, v44;
	v1 =	vadd.s32 $0x4, v9;
	[tilespmem:v3+s7+$0x0] =	vst.idx.msk $0xffff, v2  }
0x7f: {  	vm1 =	vlt.s32 v40, $0x1;
	v43 =	vshrl.u32 v43, $0x19;
	v12 =	vsel vm14, $0x180, v47;
	[tilespmem:v3+s25+$0x0] =	vst.idx.msk $0xffff, v1  }
0x80: {  	v0 =	vadd.s32 $0xF4, v39;
	v43 =	vadd.s32 v43, v40;
	v12 =	vsel vm0, $0x200, v12;
	v41 =	vld.idx.msk [tilespmem:v41+s2+$0x0], $0xffff  }
0x81: {  	v54 =	vshra.s32 v38, $0x1F;
	v43 =	vshra.s32 v43, $0x7;
	v12 =	vsel vm11, $0x280, v12  }
0x82: {  	v55 =	vshrl.u32 v54, $0x19;
	v48 =	vshll.u32 v43, $0x7;
	v49 =	vsel vm13, $0x300, v12  }
0x83: {  	vm2 =	vne.s32 v40, v48;
	vm11 =	vcmask $0x2320;
	v44 =	vsel vm15, $0x380, v49  }
0x84: {  	s9 =	smul.u32 $0x140, s1;
	v42 =	vadd.s32 $0x5, v9;
	vm1 =	vmand vm1, vm2;
	v44 =	vsel vm11, $0x800, v44  }
0x85: {  	vm2 =	vmmov vm13;
	v12 =	vimm.s32 $0x0;
	v44 =	vsel vm9, $0x880, v44;
	[tilespmem:v0+s8+$0x0] =	vst.idx.msk $0xffff, v41  }
0x86: {  	s9 =	sshrl.u32 s9, $0x3;
	vm13 =	vcmask $0x3B38;
	v45 =	vsel vm1, $0xFFFFFFFF, v12;
	v44 =	vsel vm10, $0x900, v44;
	[tilespmem:v0+s7+$0x0] =	vst.idx.msk $0xffff, v1  }
0x87: {  	s4 =	sadd.s32 s4, s9;
	vm15 =	vlt.u32 v40, $0x7FFFFFFF;
	v43 =	vadd.s32 v45, v43;
	v44 =	vsel vm8, $0x980, v44;
	[tilespmem:v0+s25+$0x0] =	vst.idx.msk $0xffff, v42  }
0x88: {  	v50 =	vand.u32 $0x7F, v43;
	v43 =	vshll.u32 v43, $0x3;
	v52 =	vsel vm7, $0xA00, v44;
	[hbm4b:s4+s2] =	stream.linear.scatter [tilespmem:s8], [sflag:$0x2], $0x140, $0x38;
	[tilespmem:$0x6600] =	vst v63  }
0x89: {  	s26 =	sadd.s32 $0x280, s4;
	v56 =	vsel vm15, $0x1, v12;
	v51 =	vand.u32 $0xFFFFFC00, v43;
	v53 =	vsel vm6, $0xA80, v52  }
0x8a: {  	v41 =	vor.u32 v50, v51;
	v44 =	vadd.s32 v55, v38;
	v42 =	vsel vm13, $0xB00, v53;
	[hbm4b:s26+s2] =	stream.linear.scatter [tilespmem:s7], [sflag:$0x2], $0x140, $0x38;
	[tilespmem:$0x6600] =	vst v63  }
0x8b: {  	s28 =	sadd.s32 $0x500, s4;
	v43 =	vadd.s32 v56, v54;
	v57 =	vand.u32 $0xFFFFFF80, v44;
	v41 =	vadd.s32 v42, v41  }
0x8c: {  	vm15 =	vne.s32 v43, $0x1;
	vm0 =	vne.s32 v38, v57;
	[hbm4b:s28+s2] =	stream.linear.scatter [tilespmem:s25], [sflag:$0x2], $0x140, $0x38;
	[tilespmem:$0x6600] =	vst v63  }
0x8d: {  	vm0 =	vmand vm0, vm15;
	_ =	swait.ge [sflag:s24], $0x4000  }
0x8e: {  	v58 =	vshra.s32 v44, $0x7;
	v59 =	vsel vm0, $0xFFFFFFFF, v12;
	[sflag:s24] =	ssyncset.done $0x0  }
0x8f: {  	v43 =	vadd.s32 v59, v58;
	[sflag:s24] =	ssyncadd.s32 $0xFFFFC000  }
0x90: {  	v60 =	vshra.s32 v36, $0x1F;
	v44 =	vshll.u32 v43, $0x3;
	v41 =	vld.idx.msk [tilespmem:v41+s23+$0x0], $0xffff  }
0x91: {  	v45 =	vshrl.u32 v60, $0x19;
	v43 =	vand.u32 $0x7F, v43;
	v44 =	vand.u32 $0xFFFFFC00, v44  }
0x92: {  	v61 =	vadd.s32 v45, v36;
	v43 =	vor.u32 v43, v44  }
0x93: {  	v45 =	vand.u32 $0xFFFFFF80, v61;
	v43 =	vadd.s32 v42, v43  }
0x94: {  	vm1 =	vlt.s32 v36, $0x1;
	vm0 =	vne.s32 v36, v45  }
0x95: {  	v40 =	vand.u32 $0x7F, v40;
	vm0 =	vmand vm1, vm0;
	v41 =	vshll.u32 v41, $0x7  }
0x96: {  	s29 =	simm.s32 $0x6480;
	v62 =	vshra.s32 v61, $0x7;
	v63 =	vsel vm0, $0xFFFFFFFF, v12;
	v40 =	vor.u32 v40, v41  }
0x97: {  	v46 =	vadd.s32 v63, v62;
	[tilespmem:v39+s29+$0x0] =	vst.idx.msk $0xffff, v40  }
0x98: {  	v41 =	vshll.u32 v46, $0x3;
	v40 =	vld.idx.msk [tilespmem:v43+s23+$0x0], $0xffff  }
0x99: {  	v47 =	vshra.s32 v34, $0x1F;
	v39 =	vand.u32 $0x7F, v46;
	v41 =	vand.u32 $0xFFFFFC00, v41  }
0x9a: {  	v39 =	vor.u32 v39, v41;
	v41 =	vshrl.u32 v47, $0x19  }
0x9b: {  	v56 =	vshra.s32 v30, $0x1F;
	v39 =	vadd.s32 v42, v39;
	v41 =	vadd.s32 v41, v34  }
0x9c: {  	v51 =	vshra.s32 v32, $0x1F;
	v38 =	vand.u32 $0x7F, v38;
	v48 =	vand.u32 $0xFFFFFF80, v41  }
0x9d: {  	vm0 =	vlt.s32 v34, $0x1;
	vm3 =	vne.s32 v34, v48;
	v40 =	vshll.u32 v40, $0x7  }
0x9e: {  	v53 =	vimm.s32 $0x1B80;
	vm0 =	vmand vm0, vm3;
	v38 =	vor.u32 v38, v40  }
0x9f: {  	v49 =	vshra.s32 v41, $0x7;
	v50 =	vsel vm0, $0xFFFFFFFF, v12;
	v40 =	vshrl.u32 v51, $0x19;
	[tilespmem:v37+s29+$0x0] =	vst.idx.msk $0xffff, v38  }
0xa0: {  	v36 =	vand.u32 $0x7F, v36;
	v38 =	vadd.s32 v50, v49;
	v52 =	vadd.s32 v40, v32;
	v37 =	vld.idx.msk [tilespmem:v39+s23+$0x0], $0xffff  }
0xa1: {  	vm0 =	vlt.s32 v32, $0x1;
	v39 =	vshll.u32 v38, $0x3;
	v40 =	vand.u32 $0xFFFFFF80, v52  }
0xa2: {  	v38 =	vand.u32 $0x7F, v38;
	v39 =	vand.u32 $0xFFFFFC00, v39;
	vm1 =	vne.s32 v32, v40  }
0xa3: {  	v38 =	vor.u32 v38, v39;
	vm0 =	vmand vm0, vm1;
	v39 =	vshra.s32 v52, $0x7  }
0xa4: {  	vm1 =	vcmask $0x1310;
	v38 =	vadd.s32 v42, v38;
	v54 =	vsel vm0, $0xFFFFFFFF, v12  }
0xa5: {  	vm0 =	vlt.s32 v30, $0x1;
	v55 =	vadd.s32 v54, v39;
	v37 =	vshll.u32 v37, $0x7  }
0xa6: {  	v39 =	vand.u32 $0x7F, v55;
	v36 =	vor.u32 v36, v37;
	v37 =	vsel vm5, $0x1000, v53  }
0xa7: {  	vm5 =	vmmov vm12;
	[tilespmem:v35+s29+$0x0] =	vst.idx.msk $0xffff, v36;
	v37 =	vsel vm12, $0x1080, v37;
	v36 =	vshrl.u32 v56, $0x19  }
0xa8: {  	vm12 =	vmmov vm4;
	v35 =	vshll.u32 v55, $0x3;
	v37 =	vsel vm4, $0x1100, v37  }
0xa9: {  	v36 =	vadd.s32 v36, v30;
	v35 =	vand.u32 $0xFFFFFC00, v35;
	v37 =	vsel vm14, $0x1180, v37  }
0xaa: {  	v38 =	vld.idx.msk [tilespmem:v38+s23+$0x0], $0xffff;
	vm4 =	vcmask $0x1714;
	v57 =	vand.u32 $0xFFFFFF80, v36;
	v37 =	vsel vm1, $0x1200, v37  }
0xab: {  	v35 =	vor.u32 v39, v35;
	vm3 =	vne.s32 v30, v57;
	v37 =	vsel vm4, $0x1280, v37  }
0xac: {  	vm0 =	vmand vm0, vm3;
	vm3 =	vcmask $0x1F1C;
	v37 =	vsel vm2, $0x1300, v37  }
0xad: {  	vm15 =	vlt.u32 v30, $0x7FFFFFFF;
	v35 =	vadd.s32 v42, v35;
	v37 =	vsel vm3, $0x1380, v37  }
0xae: {  	v34 =	vand.u32 $0x7F, v34;
	v40 =	vshra.s32 v28, $0x1F;
	v37 =	vsel vm11, $0x1800, v37  }
0xaf: {  	v36 =	vshra.s32 v36, $0x7;
	v38 =	vshll.u32 v38, $0x7;
	v37 =	vsel vm9, $0x1880, v37  }
0xb0: {  	v58 =	vsel vm0, $0xFFFFFFFF, v12;
	v34 =	vor.u32 v34, v38;
	v37 =	vsel vm10, $0x1900, v37  }
0xb1: {  	v41 =	vshrl.u32 v40, $0x19;
	v36 =	vadd.s32 v58, v36;
	[tilespmem:v33+s29+$0x0] =	vst.idx.msk $0xffff, v34;
	v62 =	vsel vm8, $0x1980, v37  }
0xb2: {  	v42 =	vsel vm15, $0x1, v12;
	v59 =	vshll.u32 v36, $0x3;
	v35 =	vld.idx.msk [tilespmem:v35+s23+$0x0], $0xffff;
	v63 =	vsel vm7, $0x1A00, v62  }
0xb3: {  	v60 =	vand.u32 $0x7F, v36;
	v61 =	vand.u32 $0xFFFFFC00, v59;
	v34 =	vsel vm6, $0x1A80, v63  }
0xb4: {  	v33 =	vor.u32 v60, v61;
	v37 =	vadd.s32 v41, v28;
	v34 =	vsel vm13, $0x1B00, v34  }
0xb5: {  	v36 =	vadd.s32 v42, v40;
	v43 =	vand.u32 $0xFFFFFF80, v37;
	v33 =	vadd.s32 v34, v33  }
0xb6: {  	vm0 =	vne.s32 v36, $0x1;
	vm15 =	vne.s32 v28, v43  }
0xb7: {  	v32 =	vand.u32 $0x7F, v32;
	vm0 =	vmand vm15, vm0;
	v35 =	vshll.u32 v35, $0x7  }
0xb8: {  	v44 =	vshra.s32 v37, $0x7;
	v45 =	vsel vm0, $0xFFFFFFFF, v12;
	v32 =	vor.u32 v32, v35  }
0xb9: {  	v46 =	vadd.s32 v45, v44;
	[tilespmem:v31+s29+$0x0] =	vst.idx.msk $0xffff, v32  }
0xba: {  	v48 =	vshra.s32 v25, $0x1F;
	v47 =	vshll.u32 v46, $0x3;
	v32 =	vld.idx.msk [tilespmem:v33+s23+$0x0], $0xffff  }
0xbb: {  	v35 =	vshrl.u32 v48, $0x19;
	v31 =	vand.u32 $0x7F, v46;
	v33 =	vand.u32 $0xFFFFFC00, v47  }
0xbc: {  	v49 =	vadd.s32 v35, v25;
	v31 =	vor.u32 v31, v33  }
0xbd: {  	v35 =	vand.u32 $0xFFFFFF80, v49;
	v31 =	vadd.s32 v34, v31  }
0xbe: {  	vm0 =	vlt.s32 v25, $0x1;
	vm15 =	vne.s32 v25, v35  }
0xbf: {  	v30 =	vand.u32 $0x7F, v30;
	vm0 =	vmand vm0, vm15;
	v32 =	vshll.u32 v32, $0x7  }
0xc0: {  	v50 =	vshra.s32 v49, $0x7;
	v51 =	vsel vm0, $0xFFFFFFFF, v12;
	v30 =	vor.u32 v30, v32  }
0xc1: {  	v52 =	vadd.s32 v51, v50;
	[tilespmem:v29+s29+$0x0] =	vst.idx.msk $0xffff, v30  }
0xc2: {  	v53 =	vshll.u32 v52, $0x3;
	v30 =	vld.idx.msk [tilespmem:v31+s23+$0x0], $0xffff  }
0xc3: {  	v29 =	vand.u32 $0x7F, v52;
	v31 =	vand.u32 $0xFFFFFC00, v53  }
0xc4: {  	v29 =	vor.u32 v29, v31  }
0xc5: {  	v54 =	vshra.s32 v24, $0x1F;
	v29 =	vadd.s32 v34, v29  }
0xc6: {  	v32 =	vshrl.u32 v54, $0x19  }
0xc7: {  	v28 =	vand.u32 $0x7F, v28;
	v55 =	vadd.s32 v32, v24;
	v30 =	vshll.u32 v30, $0x7  }
0xc8: {  	v32 =	vand.u32 $0xFFFFFF80, v55;
	v28 =	vor.u32 v28, v30  }
0xc9: {  	vm0 =	vlt.s32 v24, $0x1;
	vm15 =	vne.s32 v24, v32;
	[tilespmem:v27+s29+$0x0] =	vst.idx.msk $0xffff, v28  }
0xca: {  	vm0 =	vmand vm0, vm15;
	v28 =	vld.idx.msk [tilespmem:v29+s23+$0x0], $0xffff  }
0xcb: {  	v56 =	vshra.s32 v55, $0x7;
	v57 =	vsel vm0, $0xFFFFFFFF, v12  }
0xcc: {  	v58 =	vadd.s32 v57, v56  }
0xcd: {  	v59 =	vshll.u32 v58, $0x3  }
0xce: {  	v60 =	vshra.s32 v22, $0x1F;
	v27 =	vand.u32 $0x7F, v58;
	v29 =	vand.u32 $0xFFFFFC00, v59  }
0xcf: {  	v25 =	vand.u32 $0x7F, v25;
	v27 =	vor.u32 v27, v29;
	v28 =	vshll.u32 v28, $0x7  }
0xd0: {  	v61 =	vshrl.u32 v60, $0x19;
	v27 =	vadd.s32 v34, v27;
	v25 =	vor.u32 v25, v28  }
0xd1: {  	[tilespmem:v26+s29+$0x0] =	vst.idx.msk $0xffff, v25;
	v25 =	vadd.s32 v61, v22  }
0xd2: {  	v62 =	vand.u32 $0xFFFFFF80, v25  }
0xd3: {  	v42 =	vshra.s32 v18, $0x1F;
	vm0 =	vlt.s32 v22, $0x1;
	vm15 =	vne.s32 v22, v62  }
0xd4: {  	v63 =	vimm.s32 $0x2B80;
	vm0 =	vmand vm0, vm15;
	vm15 =	vcmask $0x300  }
0xd5: {  	v43 =	vshrl.u32 v42, $0x19;
	v26 =	vld.idx.msk [tilespmem:v27+s23+$0x0], $0xffff;
	v27 =	vsel vm15, $0x2000, v63  }
0xd6: {  	v33 =	vshra.s32 v20, $0x1F;
	v24 =	vand.u32 $0x7F, v24;
	v27 =	vsel vm5, $0x2080, v27  }
0xd7: {  	v25 =	vshra.s32 v25, $0x7;
	v32 =	vsel vm0, $0xFFFFFFFF, v12;
	v27 =	vsel vm12, $0x2100, v27  }
0xd8: {  	v29 =	vshrl.u32 v33, $0x19;
	v25 =	vadd.s32 v32, v25;
	v27 =	vsel vm14, $0x2180, v27  }
0xd9: {  	v28 =	vand.u32 $0x7F, v25;
	v25 =	vshll.u32 v25, $0x3;
	v27 =	vsel vm1, $0x2200, v27  }
0xda: {  	v35 =	vadd.s32 v29, v20;
	v25 =	vand.u32 $0xFFFFFC00, v25;
	v27 =	vsel vm4, $0x2280, v27  }
0xdb: {  	v29 =	vand.u32 $0xFFFFFF80, v35;
	v25 =	vor.u32 v28, v25;
	v27 =	vsel vm2, $0x2300, v27  }
0xdc: {  	vm0 =	vlt.s32 v20, $0x1;
	v25 =	vadd.s32 v34, v25;
	v27 =	vsel vm3, $0x2380, v27  }
0xdd: {  	vm15 =	vne.s32 v20, v29;
	v26 =	vshll.u32 v26, $0x7;
	v36 =	vsel vm11, $0x2800, v27  }
0xde: {  	vm0 =	vmand vm0, vm15;
	v24 =	vor.u32 v24, v26;
	v26 =	vsel vm9, $0x2880, v36  }
0xdf: {  	v37 =	vshra.s32 v35, $0x7;
	v38 =	vsel vm0, $0xFFFFFFFF, v12;
	v40 =	vsel vm10, $0x2900, v26  }
0xe0: {  	vm15 =	vlt.u32 v20, $0x7FFFFFFF;
	v39 =	vadd.s32 v38, v37;
	[tilespmem:v23+s29+$0x0] =	vst.idx.msk $0xffff, v24;
	v24 =	vsel vm8, $0x2980, v40  }
0xe1: {  	v44 =	vsel vm15, $0x1, v12;
	v41 =	vshll.u32 v39, $0x3;
	v25 =	vld.idx.msk [tilespmem:v25+s23+$0x0], $0xffff;
	v24 =	vsel vm7, $0x2A00, v24  }
0xe2: {  	v23 =	vand.u32 $0x7F, v39;
	v26 =	vand.u32 $0xFFFFFC00, v41;
	v24 =	vsel vm6, $0x2A80, v24  }
0xe3: {  	v27 =	vadd.s32 v43, v18;
	v23 =	vor.u32 v23, v26;
	v24 =	vsel vm13, $0x2B00, v24  }
0xe4: {  	v45 =	vand.u32 $0xFFFFFF80, v27;
	v26 =	vadd.s32 v44, v42;
	v23 =	vadd.s32 v24, v23  }
0xe5: {  	vm8 =	vne.s32 v18, v45;
	vm0 =	vne.s32 v26, $0x1  }
0xe6: {  	v22 =	vand.u32 $0x7F, v22;
	vm0 =	vmand vm8, vm0;
	v25 =	vshll.u32 v25, $0x7  }
0xe7: {  	v46 =	vshra.s32 v27, $0x7;
	v47 =	vsel vm0, $0xFFFFFFFF, v12;
	v22 =	vor.u32 v22, v25  }
0xe8: {  	[tilespmem:v21+s29+$0x0] =	vst.idx.msk $0xffff, v22;
	v21 =	vadd.s32 v47, v46  }
0xe9: {  	v48 =	vshra.s32 v16, $0x1F;
	v22 =	vshll.u32 v21, $0x3;
	v23 =	vld.idx.msk [tilespmem:v23+s23+$0x0], $0xffff  }
0xea: {  	v49 =	vshrl.u32 v48, $0x19;
	v21 =	vand.u32 $0x7F, v21;
	v22 =	vand.u32 $0xFFFFFC00, v22  }
0xeb: {  	v21 =	vor.u32 v21, v22;
	v22 =	vadd.s32 v49, v16  }
0xec: {  	v21 =	vadd.s32 v24, v21;
	v50 =	vand.u32 $0xFFFFFF80, v22  }
0xed: {  	vm0 =	vlt.s32 v16, $0x1;
	vm8 =	vne.s32 v16, v50  }
0xee: {  	v20 =	vand.u32 $0x7F, v20;
	vm0 =	vmand vm0, vm8;
	v23 =	vshll.u32 v23, $0x7  }
0xef: {  	v51 =	vshra.s32 v22, $0x7;
	v52 =	vsel vm0, $0xFFFFFFFF, v12;
	v20 =	vor.u32 v20, v23  }
0xf0: {  	[tilespmem:v19+s29+$0x0] =	vst.idx.msk $0xffff, v20;
	v19 =	vadd.s32 v52, v51  }
0xf1: {  	v53 =	vshra.s32 v14, $0x1F;
	v57 =	vshra.s32 v11, $0x1F;
	v21 =	vld.idx.msk [tilespmem:v21+s23+$0x0], $0xffff;
	v54 =	vshll.u32 v19, $0x3  }
0xf2: {  	v20 =	vshrl.u32 v53, $0x19;
	v19 =	vand.u32 $0x7F, v19;
	v22 =	vand.u32 $0xFFFFFC00, v54  }
0xf3: {  	v60 =	vshrl.u32 v57, $0x19;
	v20 =	vadd.s32 v20, v14;
	v19 =	vor.u32 v19, v22  }
0xf4: {  	v58 =	vimm.s32 $0x3B80;
	v55 =	vand.u32 $0xFFFFFF80, v20;
	v19 =	vadd.s32 v24, v19  }
0xf5: {  	vm15 =	vcmask $0x300;
	vm0 =	vlt.s32 v14, $0x1;
	vm8 =	vne.s32 v14, v55  }
0xf6: {  	v18 =	vand.u32 $0x7F, v18;
	vm0 =	vmand vm0, vm8;
	v21 =	vshll.u32 v21, $0x7  }
0xf7: {  	v20 =	vshra.s32 v20, $0x7;
	v56 =	vsel vm0, $0xFFFFFFFF, v12;
	v18 =	vor.u32 v18, v21  }
0xf8: {  	v37 =	vshra.s32 v7, $0x1F;
	v26 =	vshra.s32 v9, $0x1F;
	v20 =	vadd.s32 v56, v20;
	[tilespmem:v17+s29+$0x0] =	vst.idx.msk $0xffff, v18  }
0xf9: {  	v28 =	vshrl.u32 v26, $0x19;
	v16 =	vand.u32 $0x7F, v16;
	v59 =	vshll.u32 v20, $0x3;
	v19 =	vld.idx.msk [tilespmem:v19+s23+$0x0], $0xffff  }
0xfa: {  	v22 =	vsel vm15, $0x3000, v58;
	v20 =	vand.u32 $0x7F, v20;
	v17 =	vand.u32 $0xFFFFFC00, v59  }
0xfb: {  	v62 =	vsel vm5, $0x3080, v22;
	v18 =	vadd.s32 v60, v11;
	v17 =	vor.u32 v20, v17  }
0xfc: {  	v21 =	vsel vm12, $0x3100, v62;
	v61 =	vand.u32 $0xFFFFFF80, v18;
	v17 =	vadd.s32 v24, v17  }
0xfd: {  	vm5 =	vlt.s32 v11, $0x1;
	v63 =	vsel vm14, $0x3180, v21;
	vm12 =	vne.s32 v11, v61  }
0xfe: {  	v20 =	vsel vm1, $0x3200, v63;
	vm0 =	vmand vm5, vm12;
	v19 =	vshll.u32 v19, $0x7  }
0xff: {  	v18 =	vshra.s32 v18, $0x7;
	v25 =	vsel vm0, $0xFFFFFFFF, v12;
	v16 =	vor.u32 v16, v19  }
0x100: {  	vm15 =	vlt.s32 v9, $0x1;
	v20 =	vsel vm4, $0x3280, v20;
	v18 =	vadd.s32 v25, v18;
	[tilespmem:v15+s29+$0x0] =	vst.idx.msk $0xffff, v16  }
0x101: {  	v14 =	vand.u32 $0x7F, v14;
	v30 =	vsel vm2, $0x3300, v20;
	v27 =	vshll.u32 v18, $0x3;
	v17 =	vld.idx.msk [tilespmem:v17+s23+$0x0], $0xffff  }
0x102: {  	vm5 =	vcmask $0x2F2C;
	v18 =	vand.u32 $0x7F, v18;
	v15 =	vand.u32 $0xFFFFFC00, v27  }
0x103: {  	v19 =	vsel vm3, $0x3380, v30;
	v16 =	vadd.s32 v28, v9;
	v15 =	vor.u32 v18, v15  }
0x104: {  	v31 =	vsel vm11, $0x3800, v19;
	v29 =	vand.u32 $0xFFFFFF80, v16;
	v15 =	vadd.s32 v24, v15  }
0x105: {  	v18 =	vsel vm9, $0x3880, v31;
	v16 =	vshra.s32 v16, $0x7;
	vm4 =	vne.s32 v9, v29  }
0x106: {  	v18 =	vsel vm10, $0x3900, v18;
	vm0 =	vmand vm15, vm4;
	v17 =	vshll.u32 v17, $0x7  }
0x107: {  	v18 =	vsel vm5, $0x3980, v18;
	v32 =	vsel vm0, $0xFFFFFFFF, v12;
	v14 =	vor.u32 v14, v17  }
0x108: {  	v36 =	vsel vm7, $0x3A00, v18;
	vm7 =	vlt.u32 v9, $0x7FFFFFFF;
	v16 =	vadd.s32 v32, v16;
	[tilespmem:v13+s29+$0x0] =	vst.idx.msk $0xffff, v14  }
0x109: {  	v38 =	vshrl.u32 v37, $0x19;
	v39 =	vsel vm7, $0x1, v12;
	v33 =	vshll.u32 v16, $0x3;
	v15 =	vld.idx.msk [tilespmem:v15+s23+$0x0], $0xffff  }
0x10a: {  	v34 =	vand.u32 $0x7F, v16;
	v16 =	vsel vm6, $0x3A80, v36;
	v35 =	vand.u32 $0xFFFFFC00, v33  }
0x10b: {  	v16 =	vsel vm13, $0x3B00, v16;
	v17 =	vadd.s32 v38, v7;
	v13 =	vor.u32 v34, v35  }
0x10c: {  	v14 =	vadd.s32 v39, v37;
	v40 =	vand.u32 $0xFFFFFF80, v17;
	v13 =	vadd.s32 v16, v13  }
0x10d: {  	vm8 =	vne.s32 v14, $0x1;
	vm9 =	vne.s32 v7, v40  }
0x10e: {  	v11 =	vand.u32 $0x7F, v11;
	vm0 =	vmand vm9, vm8;
	v41 =	vshll.u32 v15, $0x7  }
0x10f: {  	v42 =	vshra.s32 v17, $0x7;
	v43 =	vsel vm0, $0xFFFFFFFF, v12;
	v11 =	vor.u32 v11, v41  }
0x110: {  	v44 =	vadd.s32 v43, v42;
	[tilespmem:v10+s29+$0x0] =	vst.idx.msk $0xffff, v11  }
0x111: {  	v46 =	vshra.s32 v5, $0x1F;
	v45 =	vshll.u32 v44, $0x3;
	v11 =	vld.idx.msk [tilespmem:v13+s23+$0x0], $0xffff  }
0x112: {  	v14 =	vshrl.u32 v46, $0x19;
	v10 =	vand.u32 $0x7F, v44;
	v13 =	vand.u32 $0xFFFFFC00, v45  }
0x113: {  	v47 =	vadd.s32 v14, v5;
	v10 =	vor.u32 v10, v13  }
0x114: {  	v14 =	vand.u32 $0xFFFFFF80, v47;
	v10 =	vadd.s32 v16, v10  }
0x115: {  	vm10 =	vlt.s32 v5, $0x1;
	vm11 =	vne.s32 v5, v14  }
0x116: {  	v9 =	vand.u32 $0x7F, v9;
	vm0 =	vmand vm10, vm11;
	v11 =	vshll.u32 v11, $0x7  }
0x117: {  	v48 =	vshra.s32 v47, $0x7;
	v49 =	vsel vm0, $0xFFFFFFFF, v12;
	v9 =	vor.u32 v9, v11  }
0x118: {  	v50 =	vadd.s32 v49, v48;
	[tilespmem:v8+s29+$0x0] =	vst.idx.msk $0xffff, v9  }
0x119: {  	v52 =	vshra.s32 v2, $0x1F;
	v51 =	vshll.u32 v50, $0x3;
	v9 =	vld.idx.msk [tilespmem:v10+s23+$0x0], $0xffff  }
0x11a: {  	v11 =	vshrl.u32 v52, $0x19;
	v8 =	vand.u32 $0x7F, v50;
	v10 =	vand.u32 $0xFFFFFC00, v51  }
0x11b: {  	v53 =	vadd.s32 v11, v2;
	v8 =	vor.u32 v8, v10  }
0x11c: {  	v11 =	vand.u32 $0xFFFFFF80, v53;
	v8 =	vadd.s32 v16, v8  }
0x11d: {  	vm12 =	vlt.s32 v2, $0x1;
	vm13 =	vne.s32 v2, v11  }
0x11e: {  	v7 =	vand.u32 $0x7F, v7;
	vm0 =	vmand vm12, vm13;
	v9 =	vshll.u32 v9, $0x7  }
0x11f: {  	v54 =	vshra.s32 v53, $0x7;
	v55 =	vsel vm0, $0xFFFFFFFF, v12;
	v7 =	vor.u32 v7, v9  }
0x120: {  	v56 =	vadd.s32 v55, v54;
	[tilespmem:v6+s29+$0x0] =	vst.idx.msk $0xffff, v7  }
0x121: {  	v58 =	vshra.s32 v1, $0x1F;
	v57 =	vshll.u32 v56, $0x3;
	v7 =	vld.idx.msk [tilespmem:v8+s23+$0x0], $0xffff  }
0x122: {  	v9 =	vshrl.u32 v58, $0x19;
	v6 =	vand.u32 $0x7F, v56;
	v8 =	vand.u32 $0xFFFFFC00, v57  }
0x123: {  	v59 =	vadd.s32 v9, v1;
	v6 =	vor.u32 v6, v8  }
0x124: {  	v9 =	vand.u32 $0xFFFFFF80, v59;
	v6 =	vadd.s32 v16, v6  }
0x125: {  	vm14 =	vlt.s32 v1, $0x1;
	vm15 =	vne.s32 v1, v9  }
0x126: {  	v5 =	vand.u32 $0x7F, v5;
	vm0 =	vmand vm14, vm15;
	v7 =	vshll.u32 v7, $0x7  }
0x127: {  	v61 =	vshra.s32 v59, $0x7;
	v60 =	vsel vm0, $0xFFFFFFFF, v12;
	v5 =	vor.u32 v5, v7  }
0x128: {  	v62 =	vadd.s32 v60, v61;
	[tilespmem:v4+s29+$0x0] =	vst.idx.msk $0xffff, v5  }
0x129: {  	v63 =	vshll.u32 v62, $0x3;
	v5 =	vld.idx.msk [tilespmem:v6+s23+$0x0], $0xffff  }
0x12a: {  	v4 =	vand.u32 $0x7F, v62;
	v6 =	vand.u32 $0xFFFFFC00, v63  }
0x12b: {  	v4 =	vor.u32 v4, v6  }
0x12c: {  	v4 =	vadd.s32 v16, v4;
	_ =	sdelay $0x1  }
0x12d: {  	v2 =	vand.u32 $0x7F, v2;
	v5 =	vshll.u32 v5, $0x7  }
0x12e: {  	v2 =	vor.u32 v2, v5  }
0x12f: {  	[tilespmem:v3+s29+$0x0] =	vst.idx.msk $0xffff, v2  }
0x130: {  	v2 =	vld.idx.msk [tilespmem:v4+s23+$0x0], $0xffff;
	_ =	sdelay $0x4  }
0x131: {  	v1 =	vand.u32 $0x7F, v1;
	v2 =	vshll.u32 v2, $0x7  }
0x132: {  	v1 =	vor.u32 v1, v2  }
0x133: {  	s31 =	simm.s32 $0x2;
	s30 =	sadd.s32 $0x780, s4;
	[tilespmem:v0+s29+$0x0] =	vst.idx.msk $0xffff, v1  }
0x134: {  	[hbm4b:s30+s2] =	stream.linear.scatter [tilespmem:s29], [sflag:$0x2], $0x140, $0x38;
	[tilespmem:$0x6600] =	vst v63  }
0x135: {  	_ =	swait.ge [sflag:s31], $0x140  }
0x136: {  	[sflag:s31] =	ssyncset.done $0x0  }
0x137: {  	[sflag:s31] =	ssyncadd.s32 $0xFFFFFEC0  }
0x138: {  	_ =	swait.ge [sflag:s31], $0x140  }
0x139: {  	[sflag:s31] =	ssyncset.done $0x0  }
0x13a: {  	[sflag:s31] =	ssyncadd.s32 $0xFFFFFEC0  }
0x13b: {  	_ =	swait.ge [sflag:s31], $0x140  }
0x13c: {  	[sflag:s31] =	ssyncset.done $0x0  }
0x13d: {  	[sflag:s31] =	ssyncadd.s32 $0xFFFFFEC0  }
0x13e: {  	_ =	swait.ge [sflag:s31], $0x140  }
0x13f: {  	[sflag:s31] =	ssyncset.done $0x0  }
0x140: {  	[sflag:s31] =	ssyncadd.s32 $0xFFFFFEC0  }
0x141: {  	_ =	sfence.sel $0x180000  }
0x142: {  	[bflag:$0x0] =	sbarrier.arrive $0xFFFF  }
0x143: {  	p0 =	sne.s32 s1, $0x0;
	_ =	strace $0x90000047  }
0x144: {  	s0 =	sadd.s32 @!p0 $0x100000, s0;
	[bflag:$0x2] =	sbarrier.arrive $0xFFFF  }
0x145: {  	[sflag:s0] =	ssyncadd.tile.s32 @!p0 $0x1;
	_ =	shalt  }
.Lfunc_end2:
_tile_overlayer_lowered:
.L_overlay_start_2:
0x146: {  	(tag) =	ssettag $0x2  }
0x147: {  	s0 =	rddreg [dreg:$0x0];
	s2 =	stileid.u32  }
0x148: {  	s1 =	rddreg [dreg:$0x1];
	p0 =	sne.s32 s2, $0x0  }
0x149: {  	s3 =	rddreg [dreg:$0x2];
	[bflag:$0x3] =	sbarrier.arrive $0xFFFF;
	s2 =	simm.s32 @!p0 $0x1C03  }
0x14a: {  	[timem:s3], [sflag:s2] =	dma.local @!p0 [hbm:s0], s1  }
0x14b: {  	s0 =	simm.s32 @!p0 $0x3  }
0x14c: {  	_ =	swait.ge @!p0 [sflag:s0], s1  }
0x14d: {  	s1 =	ssub.s32 @!p0 $0x0, s1;
	[sflag:s0] =	ssyncset.done @!p0 $0x0  }
0x14e: {  	[sflag:s0] =	ssyncadd.s32 @!p0 s1  }
0x14f: {  	[bflag:$0x3] =	sbarrier.arrive $0xFFFF  }
0x150: {  	_ =	shalt  }

</sc_bundles>
